<compile_context>
chip_gen: v7x
topology: tpu7x:2x2x1
jax: 0.10.2.dev20260603
libtpu: 0.0.44.dev20260713+nightly
codegen_flags: <defaults>
</compile_context>

<pallas_src>
import functools

import jax
import jax.numpy as jnp
from jax import lax
from jax.experimental import pallas as pl
from jax.experimental.pallas import tpu as pltpu
from jax.experimental.pallas import tpu_sc as plsc

N = 10000
E = 320000
D = 128
ALPHA = 0.2
NC, NS = 1, 16
NW = NC * NS
EPW = E // NW
CH = 80
NCHUNK = EPW // CH
ACC_ROWS = 10240
DROWS = ACC_ROWS // D
S_PAD = 10008
NEG = -1.0e30


def _scores_body(h_ref, a_ref, s_ref):
    s_ref[...] = jnp.dot(h_ref[...], a_ref[...],
                         preferred_element_type=jnp.float32)


def _tc_scores(h, a2col):
    return pl.pallas_call(
        _scores_body,
        out_shape=jax.ShapeDtypeStruct((N, 2), jnp.float32),
    )(h, a2col)


def _combine_body(h_ref, m_ref, d_ref, o_ref):
    msg = m_ref[...]
    den = d_ref[...]
    o_ref[...] = h_ref[...] + jnp.where(den > 0.0, msg / jnp.where(den > 0.0, den, 1.0), 0.0)


def _tc_combine(h, m, d):
    blk = 400
    grid = N // blk
    return pl.pallas_call(
        _combine_body,
        grid=(grid,),
        in_specs=[
            pl.BlockSpec((blk, D), lambda i: (i, 0)),
            pl.BlockSpec((blk, D), lambda i: (i, 0)),
            pl.BlockSpec((blk, 1), lambda i: (i, 0)),
        ],
        out_specs=pl.BlockSpec((blk, D), lambda i: (i, 0)),
        out_shape=jax.ShapeDtypeStruct((N, D), jnp.float32),
    )(h, m, d)


def _sc_body(h_hbm, sv_hbm, i_hbm, j_hbm, msg_hbm, den_hbm,
             sv, zbuf0, zbuf1, ibuf0, ibuf1, jbuf0, jbuf1,
             idxb0, idxb1, iden, dtab, rows0, rows1,
             acc, dsh, semi0, semi1, semr0, semr1):
    cid = lax.axis_index("c")
    sid = lax.axis_index("s")
    wid = sid * NC + cid
    ebase = wid * EPW
    iota = lax.iota(jnp.int32, 16)

    pltpu.sync_copy(sv_hbm, sv)
    for g in range(CH // 16):
        iden[pl.ds(g * 16, 16)] = iota + g * 16

    def zrow(r, c):
        for v in range(D // 16):
            dtab[r, pl.ds(v * 16, 16)] = jnp.zeros((16,), jnp.float32)
        return c
    lax.fori_loop(0, DROWS, zrow, 0)

    rows_per_tile = ACC_ROWS // NS
    def zacc(k, c):
        pltpu.sync_copy(dtab, acc.at[pl.ds(sid * rows_per_tile + k * DROWS, DROWS), :])
        return c
    lax.fori_loop(0, rows_per_tile // DROWS, zacc, 0)

    @pl.when(sid < DROWS // 8)
    def _():
        pltpu.sync_copy(dtab.at[pl.ds(0, 8), :], dsh.at[pl.ds(sid * 8, 8), :])
    plsc.subcore_barrier()

    def issue_ij(c, ibuf, jbuf, sem):
        pltpu.async_copy(i_hbm.at[pl.ds(ebase + c * CH, CH + 16)], ibuf, sem)
        pltpu.async_copy(j_hbm.at[pl.ds(ebase + c * CH, CH)], jbuf, sem)

    def wait_ij(ibuf, jbuf, sem):
        pltpu.make_async_copy(i_hbm.at[pl.ds(0, CH + 16)], ibuf, sem).wait()
        pltpu.make_async_copy(j_hbm.at[pl.ds(0, CH)], jbuf, sem).wait()

    def issue_rows(jbuf, buf, sem):
        pltpu.async_copy(h_hbm.at[jbuf], buf, sem)

    def wait_rows(buf, sem):
        pltpu.make_async_copy(h_hbm.at[pl.ds(0, CH)], buf, sem).wait()

    def zcompute(ibuf, jbuf, zbuf, idxb):
        for g in range(CH // 16):
            ivec = ibuf[pl.ds(g * 16, 16)]
            inext = ibuf[pl.ds(g * 16 + 1, 16)]
            jvec = jbuf[pl.ds(g * 16, 16)]
            idxb[pl.ds(g * 16, 16)] = ivec
            g1 = plsc.load_gather(sv, [ivec])
            g2 = plsc.load_gather(sv, [jvec])
            s1 = plsc.bitcast(g1 & jnp.int32(-65536), jnp.float32)
            s2 = plsc.bitcast(lax.shift_left(g2, 16), jnp.float32)
            e = s1 + s2
            e = jnp.where(e >= 0.0, e, ALPHA * e)
            z = jnp.exp(e)
            zbuf[pl.ds(g * 16, 16)] = z
            cum = plsc.cumsum(z)
            is_end = (ivec != inext) | (iota == 15)
            plsc.addupdate_scatter(
                dtab,
                [lax.shift_right_logical(ivec, 7), ivec & 127],
                cum, mask=is_end)
            m2 = is_end & (iota != 15)
            plsc.addupdate_scatter(
                dtab,
                [lax.shift_right_logical(inext, 7), inext & 127],
                -cum, mask=m2)

    def scale_scatter(rows, zbuf, idxb):
        def srow(r, c2):
            zr = zbuf[pl.ds(r, 16)][0]
            for v in range(D // 16):
                rows[r, pl.ds(v * 16, 16)] = rows[r, pl.ds(v * 16, 16)] * zr
            return c2
        lax.fori_loop(0, CH, srow, 0)
        pltpu.sync_copy(rows, acc.at[idxb], add=True)

    issue_ij(0, ibuf0, jbuf0, semi0)
    issue_ij(1, ibuf1, jbuf1, semi1)
    wait_ij(ibuf0, jbuf0, semi0)
    zcompute(ibuf0, jbuf0, zbuf0, idxb0)
    issue_rows(jbuf0, rows0, semr0)

    def step(t, c):
        a = 2 * t

        @pl.when(a + 2 < NCHUNK)
        def _():
            issue_ij(a + 2, ibuf0, jbuf0, semi0)
        wait_ij(ibuf1, jbuf1, semi1)
        zcompute(ibuf1, jbuf1, zbuf1, idxb1)
        issue_rows(jbuf1, rows1, semr1)

        @pl.when(a + 3 < NCHUNK)
        def _():
            issue_ij(a + 3, ibuf1, jbuf1, semi1)
        wait_rows(rows0, semr0)
        scale_scatter(rows0, zbuf0, idxb0)

        @pl.when(a + 2 < NCHUNK)
        def _():
            wait_ij(ibuf0, jbuf0, semi0)
            zcompute(ibuf0, jbuf0, zbuf0, idxb0)
            issue_rows(jbuf0, rows0, semr0)
        wait_rows(rows1, semr1)
        scale_scatter(rows1, zbuf1, idxb1)
        return c
    lax.fori_loop(0, NCHUNK // 2, step, 0)

    pltpu.sync_copy(dtab, dsh.at[iden], add=True)
    plsc.subcore_barrier()

    pltpu.sync_copy(acc.at[pl.ds(sid * rows_per_tile, rows_per_tile), :],
                    msg_hbm.at[cid, pl.ds(sid * rows_per_tile, rows_per_tile), :])
    @pl.when(sid < DROWS // 8)
    def _():
        pltpu.sync_copy(dsh.at[pl.ds(sid * 8, 8), :],
                        den_hbm.at[cid, pl.ds(sid * 8, 8), :])


@functools.partial(
    pl.kernel,
    out_type=(jax.ShapeDtypeStruct((NC, ACC_ROWS, D), jnp.float32),
              jax.ShapeDtypeStruct((NC, DROWS, D), jnp.float32)),
    mesh=plsc.VectorSubcoreMesh(core_axis_name="c", subcore_axis_name="s",
                                num_cores=NC, num_subcores=NS),
    compiler_params=pltpu.CompilerParams(needs_layout_passes=False),
    scratch_types=[
        pltpu.VMEM((S_PAD,), jnp.int32),
        pltpu.VMEM((CH + 16,), jnp.float32),
        pltpu.VMEM((CH + 16,), jnp.float32),
        pltpu.VMEM((CH + 16,), jnp.int32),
        pltpu.VMEM((CH + 16,), jnp.int32),
        pltpu.VMEM((CH,), jnp.int32),
        pltpu.VMEM((CH,), jnp.int32),
        pltpu.VMEM((CH,), jnp.int32),
        pltpu.VMEM((CH,), jnp.int32),
        pltpu.VMEM((CH,), jnp.int32),
        pltpu.VMEM((DROWS, D), jnp.float32),
        pltpu.VMEM((CH, D), jnp.float32),
        pltpu.VMEM((CH, D), jnp.float32),
        pltpu.VMEM_SHARED((ACC_ROWS, D), jnp.float32),
        pltpu.VMEM_SHARED((DROWS, D), jnp.float32),
        pltpu.SemaphoreType.DMA,
        pltpu.SemaphoreType.DMA,
        pltpu.SemaphoreType.DMA,
        pltpu.SemaphoreType.DMA,
    ],
)
def _sc_main(h_hbm, sv_hbm, i_hbm, j_hbm, msg_hbm, den_hbm,
             sv, zbuf0, zbuf1, ibuf0, ibuf1, jbuf0, jbuf1,
             idxb0, idxb1, iden, dtab, rows0, rows1,
             acc, dsh, semi0, semi1, semr0, semr1):
    _sc_body(h_hbm, sv_hbm, i_hbm, j_hbm, msg_hbm, den_hbm,
             sv, zbuf0, zbuf1, ibuf0, ibuf1, jbuf0, jbuf1,
             idxb0, idxb1, iden, dtab, rows0, rows1,
             acc, dsh, semi0, semi1, semr0, semr1)


def kernel(drug_embeddings, drug_relationships, a_phim):
    h = drug_embeddings
    src = drug_relationships[:, 0]
    dst = drug_relationships[:, 1]
    ei = jnp.concatenate([src, dst]).astype(jnp.int32)
    ej = jnp.concatenate([dst, src]).astype(jnp.int32)
    keys = jnp.sort(ei * N + ej)
    dup = jnp.concatenate([jnp.zeros((1,), bool), keys[1:] == keys[:-1]])
    i_idx = (keys // N).astype(jnp.int32)
    j_idx = jnp.where(dup, N, keys % N).astype(jnp.int32)

    s = _tc_scores(h, a_phim.reshape(2, D).T)
    s1 = jnp.concatenate([s[:, 0], jnp.zeros((S_PAD - N,), jnp.float32)])
    s2 = jnp.concatenate([s[:, 1], jnp.full((S_PAD - N,), NEG, jnp.float32)])
    hp = jnp.concatenate([h, jnp.zeros((S_PAD - N, D), jnp.float32)])
    b1 = jax.lax.bitcast_convert_type(s1, jnp.uint32) + jnp.uint32(0x8000)
    b2 = jax.lax.bitcast_convert_type(s2, jnp.uint32) + jnp.uint32(0x8000)
    sv = jax.lax.bitcast_convert_type(
        (b1 & jnp.uint32(0xFFFF0000)) | (b2 >> 16), jnp.int32)
    ip = jnp.concatenate([i_idx, jnp.full((16,), N, jnp.int32)])

    msg, den = _sc_main(hp, sv, ip, j_idx)
    m = msg[0, :N, :]
    d = den[0].reshape(ACC_ROWS, 1)[:N]
    return _tc_combine(h, m, d)

# --- scband reference (transcript-rebuilt; emitter-appended) ---
"""Pipeline reference for scband-drug-attention-layer-16810501996742 (READ-ONLY COPY).

The authoritative reference and input builder live on the scoring server;
editing this copy changes nothing except your own understanding.
"""

import jax, jax.numpy as jnp
import numpy as np

N_NODES = 10000
N_EDGES = 160000
EMBED_DIM = 128
ALPHA = 0.2


def setup_inputs(seed: int = 0):
    key = jax.random.key(seed)
    k1, k2, k3 = jax.random.split(key, 3)
    drug_embeddings = jax.random.normal(k1, (N_NODES, EMBED_DIM), dtype=jnp.float32)
    drug_relationships = jax.random.randint(k2, (N_EDGES, 2), 0, N_NODES)
    # a_phim: nn.Parameter shape (2*embed_dim, 1), xavier_uniform_ gain=1.414
    fan_in, fan_out = 1, 2 * EMBED_DIM  # torch fan for 2-D (rows=2d, cols=1): fan_in=1, fan_out=2d
    bound = 1.414 * float(np.sqrt(6.0 / (fan_in + fan_out)))
    a_phim = jax.random.uniform(k3, (2 * EMBED_DIM, 1), minval=-bound, maxval=bound, dtype=jnp.float32)
    return {"drug_embeddings": drug_embeddings, "drug_relationships": drug_relationships, "a_phim": a_phim}


def _prepare_edges(drug_relationships, n):
    # Symmetrize (neighbors[i].add(j); neighbors[j].add(i)) and deduplicate (set semantics).
    src = drug_relationships[:, 0]
    dst = drug_relationships[:, 1]
    ei = jnp.concatenate([src, dst])
    ej = jnp.concatenate([dst, src])
    keys = ei * n + ej
    sentinel = n * n
    uk = jnp.unique(keys, size=keys.shape[0], fill_value=sentinel)
    mask = uk < sentinel
    i_seg = jnp.where(mask, uk // n, n)          # out-of-range for padding -> dropped by segment ops
    i_gather = jnp.clip(i_seg, 0, n - 1)
    j_idx = jnp.where(mask, uk % n, 0)
    return i_seg, i_gather, j_idx, mask


def reference(drug_embeddings, drug_relationships, a_phim):
    n = drug_embeddings.shape[0]
    i_seg, i_gather, j_idx, mask = _prepare_edges(drug_relationships, n)

    hi = drug_embeddings[i_gather]
    hj = drug_embeddings[j_idx]
    # e_ij = LeakyReLU(cat(h_i, h_j) @ a_phim)
    e = (jnp.concatenate([hi, hj], axis=1) @ a_phim)[:, 0]
    e = jnp.where(e >= 0, e, ALPHA * e)
    e = jnp.where(mask, e, 0.0)

    # per-destination-node softmax over neighbor set (stable, like F.softmax)
    m = jax.ops.segment_max(e, i_seg, num_segments=n)
    m_g = jnp.where(mask, m[i_gather], 0.0)
    z = jnp.where(mask, jnp.exp(e - m_g), 0.0)
    denom = jax.ops.segment_sum(z, i_seg, num_segments=n)
    denom_g = denom[i_gather]
    attn = jnp.where(mask, z / jnp.where(denom_g > 0, denom_g, 1.0), 0.0)

    # h_prime[i] = h[i] + sum_j attn_ij * h[j]
    msg = jax.ops.segment_sum(attn[:, None] * hj, i_seg, num_segments=n)
    return drug_embeddings + msg

if __name__ == "__main__":
    import jax
    _d = setup_inputs()
    print(jax.jit(kernel)(*tuple(_d.values())))

</pallas_src>

<mosaic_0001>
#map = affine_map<(d0, d1) -> (0, 0)>
#map1 = affine_map<(d0, d1) -> (0)>
#map2 = affine_map<(d0, d1) -> (0, 0, 0)>
module attributes {stable_mosaic.version = 14 : i64} {
  func.func @_sc_main(%arg0: i32, %arg1: i32, %arg2: memref<10008x128xf32, #tpu.memory_space<hbm>>, %arg3: memref<10008xi32, #tpu.memory_space<hbm>>, %arg4: memref<320016xi32, #tpu.memory_space<hbm>>, %arg5: memref<320000xi32, #tpu.memory_space<hbm>>, %arg6: memref<1x10240x128xf32, #tpu.memory_space<hbm>>, %arg7: memref<1x80x128xf32, #tpu.memory_space<hbm>>, %arg8: memref<10008xi32, #tpu.memory_space<vmem>>, %arg9: memref<96xf32, #tpu.memory_space<vmem>>, %arg10: memref<96xf32, #tpu.memory_space<vmem>>, %arg11: memref<96xi32, #tpu.memory_space<vmem>>, %arg12: memref<96xi32, #tpu.memory_space<vmem>>, %arg13: memref<80xi32, #tpu.memory_space<vmem>>, %arg14: memref<80xi32, #tpu.memory_space<vmem>>, %arg15: memref<80xi32, #tpu.memory_space<vmem>>, %arg16: memref<80xi32, #tpu.memory_space<vmem>>, %arg17: memref<80xi32, #tpu.memory_space<vmem>>, %arg18: memref<80x128xf32, #tpu.memory_space<vmem>>, %arg19: memref<80x128xf32, #tpu.memory_space<vmem>>, %arg20: memref<80x128xf32, #tpu.memory_space<vmem>>, %arg21: memref<10240x128xf32, #tpu.memory_space<vmem_shared>>, %arg22: memref<80x128xf32, #tpu.memory_space<vmem_shared>>, %arg23: memref<!tpu.dma_semaphore, #tpu.memory_space<semaphore_mem>>, %arg24: memref<!tpu.dma_semaphore, #tpu.memory_space<semaphore_mem>>, %arg25: memref<!tpu.dma_semaphore, #tpu.memory_space<semaphore_mem>>, %arg26: memref<!tpu.dma_semaphore, #tpu.memory_space<semaphore_mem>>) attributes {dimension_semantics = [#tpu.dimension_semantics<core_parallel>, #tpu.dimension_semantics<subcore_parallel>], iteration_bounds = array<i64: 1, 16>, scalar_prefetch = 0 : i64, scratch_operands = 19 : i64, tpu.core_type = #tpu.core_type<sc_vector_subcore>, window_params = [{transform_indices = #map}, {transform_indices = #map1}, {transform_indices = #map1}, {transform_indices = #map1}, {transform_indices = #map2}, {transform_indices = #map2}]} {
    %mul3A = arith.constant 1 : i32
    %mul3A_0 = arith.muli %arg1, %mul3A : i32
    %add3A = arith.addi %mul3A_0, %arg0 : i32
    %mul3A_1 = arith.constant 20000 : i32
    %mul3A_2 = arith.muli %add3A, %mul3A_1 : i32
    %iota3A = tpu.iota {dimensions = array<i32: 0>} : vector<16xi32>
    "tpu.region"() ({
      %run_scoped3A = tpu.sem_alloc : memref<!tpu.dma_semaphore, #tpu.memory_space<semaphore_mem>>
      tpu.enqueue_dma source(%arg3 : memref<10008xi32, #tpu.memory_space<hbm>>) target(%arg8 : memref<10008xi32, #tpu.memory_space<vmem>>) target_semaphore(%run_scoped3A : memref<!tpu.dma_semaphore, #tpu.memory_space<semaphore_mem>>)
      tpu.wait_dma2 semaphore(%run_scoped3A : memref<!tpu.dma_semaphore, #tpu.memory_space<semaphore_mem>>) src(%arg3 : memref<10008xi32, #tpu.memory_space<hbm>>) dst(%arg8 : memref<10008xi32, #tpu.memory_space<vmem>>)
      tpu.yield
    }) : () -> ()
    %add3A_3 = arith.constant 0 : i32
    %add3A_4 = vector.broadcast %add3A_3 : i32 to vector<16xi32>
    %add3A_5 = arith.addi %iota3A, %add3A_4 : vector<16xi32>
    %swap3A = arith.constant 0 : index
    %swap3A_6 = tpu.vector_load %arg17[%swap3A] {strides = array<i32>} : memref<80xi32, #tpu.memory_space<vmem>>, vector<16xi32>,
    tpu.vector_store %arg17[%swap3A], %add3A_5 {strides = array<i32>} : memref<80xi32, #tpu.memory_space<vmem>>, vector<16xi32>,
    %add3A_7 = arith.constant 16 : i32
    %add3A_8 = vector.broadcast %add3A_7 : i32 to vector<16xi32>
    %add3A_9 = arith.addi %iota3A, %add3A_8 : vector<16xi32>
    %swap3A_10 = arith.constant 16 : index
    %swap3A_11 = tpu.vector_load %arg17[%swap3A_10] {strides = array<i32>} : memref<80xi32, #tpu.memory_space<vmem>>, vector<16xi32>,
    tpu.vector_store %arg17[%swap3A_10], %add3A_9 {strides = array<i32>} : memref<80xi32, #tpu.memory_space<vmem>>, vector<16xi32>,
    %add3A_12 = arith.constant 32 : i32
    %add3A_13 = vector.broadcast %add3A_12 : i32 to vector<16xi32>
    %add3A_14 = arith.addi %iota3A, %add3A_13 : vector<16xi32>
    %swap3A_15 = arith.constant 32 : index
    %swap3A_16 = tpu.vector_load %arg17[%swap3A_15] {strides = array<i32>} : memref<80xi32, #tpu.memory_space<vmem>>, vector<16xi32>,
    tpu.vector_store %arg17[%swap3A_15], %add3A_14 {strides = array<i32>} : memref<80xi32, #tpu.memory_space<vmem>>, vector<16xi32>,
    %add3A_17 = arith.constant 48 : i32
    %add3A_18 = vector.broadcast %add3A_17 : i32 to vector<16xi32>
    %add3A_19 = arith.addi %iota3A, %add3A_18 : vector<16xi32>
    %swap3A_20 = arith.constant 48 : index
    %swap3A_21 = tpu.vector_load %arg17[%swap3A_20] {strides = array<i32>} : memref<80xi32, #tpu.memory_space<vmem>>, vector<16xi32>,
    tpu.vector_store %arg17[%swap3A_20], %add3A_19 {strides = array<i32>} : memref<80xi32, #tpu.memory_space<vmem>>, vector<16xi32>,
    %add3A_22 = arith.constant 64 : i32
    %add3A_23 = vector.broadcast %add3A_22 : i32 to vector<16xi32>
    %add3A_24 = arith.addi %iota3A, %add3A_23 : vector<16xi32>
    %swap3A_25 = arith.constant 64 : index
    %swap3A_26 = tpu.vector_load %arg17[%swap3A_25] {strides = array<i32>} : memref<80xi32, #tpu.memory_space<vmem>>, vector<16xi32>,
    tpu.vector_store %arg17[%swap3A_25], %add3A_24 {strides = array<i32>} : memref<80xi32, #tpu.memory_space<vmem>>, vector<16xi32>,
    %scan3A = arith.constant 0 : i32
    %scan3A_27 = arith.constant 0 : i32
    %scan3A_28 = arith.constant 80 : i32
    %scan3A_29 = arith.addi %scan3A_27, %scan3A_28 : i32
    %scan3A_30 = arith.constant 1 : i32
    scf.for %scan3A_346 = %scan3A_27 to %scan3A_29 step %scan3A_30  : i32 {
      %broadcast_in_dim3A_347 = arith.constant 0.000000e+00 : f32
      %broadcast_in_dim3A_348 = vector.broadcast %broadcast_in_dim3A_347 : f32 to vector<16xf32>
      %swap3A_349 = arith.index_cast %scan3A_346 : i32 to index
      %swap3A_350 = arith.constant 0 : index
      %swap3A_351 = tpu.vector_load %arg18[%swap3A_349, %swap3A_350] {strides = array<i32>} : memref<80x128xf32, #tpu.memory_space<vmem>>, vector<16xf32>,
      tpu.vector_store %arg18[%swap3A_349, %swap3A_350], %broadcast_in_dim3A_348 {strides = array<i32>} : memref<80x128xf32, #tpu.memory_space<vmem>>, vector<16xf32>,
      %broadcast_in_dim3A_352 = arith.constant 0.000000e+00 : f32
      %broadcast_in_dim3A_353 = vector.broadcast %broadcast_in_dim3A_352 : f32 to vector<16xf32>
      %swap3A_354 = arith.index_cast %scan3A_346 : i32 to index
      %swap3A_355 = arith.constant 16 : index
      %swap3A_356 = tpu.vector_load %arg18[%swap3A_354, %swap3A_355] {strides = array<i32>} : memref<80x128xf32, #tpu.memory_space<vmem>>, vector<16xf32>,
      tpu.vector_store %arg18[%swap3A_354, %swap3A_355], %broadcast_in_dim3A_353 {strides = array<i32>} : memref<80x128xf32, #tpu.memory_space<vmem>>, vector<16xf32>,
      %broadcast_in_dim3A_357 = arith.constant 0.000000e+00 : f32
      %broadcast_in_dim3A_358 = vector.broadcast %broadcast_in_dim3A_357 : f32 to vector<16xf32>
      %swap3A_359 = arith.index_cast %scan3A_346 : i32 to index
      %swap3A_360 = arith.constant 32 : index
      %swap3A_361 = tpu.vector_load %arg18[%swap3A_359, %swap3A_360] {strides = array<i32>} : memref<80x128xf32, #tpu.memory_space<vmem>>, vector<16xf32>,
      tpu.vector_store %arg18[%swap3A_359, %swap3A_360], %broadcast_in_dim3A_358 {strides = array<i32>} : memref<80x128xf32, #tpu.memory_space<vmem>>, vector<16xf32>,
      %broadcast_in_dim3A_362 = arith.constant 0.000000e+00 : f32
      %broadcast_in_dim3A_363 = vector.broadcast %broadcast_in_dim3A_362 : f32 to vector<16xf32>
      %swap3A_364 = arith.index_cast %scan3A_346 : i32 to index
      %swap3A_365 = arith.constant 48 : index
      %swap3A_366 = tpu.vector_load %arg18[%swap3A_364, %swap3A_365] {strides = array<i32>} : memref<80x128xf32, #tpu.memory_space<vmem>>, vector<16xf32>,
      tpu.vector_store %arg18[%swap3A_364, %swap3A_365], %broadcast_in_dim3A_363 {strides = array<i32>} : memref<80x128xf32, #tpu.memory_space<vmem>>, vector<16xf32>,
      %broadcast_in_dim3A_367 = arith.constant 0.000000e+00 : f32
      %broadcast_in_dim3A_368 = vector.broadcast %broadcast_in_dim3A_367 : f32 to vector<16xf32>
      %swap3A_369 = arith.index_cast %scan3A_346 : i32 to index
      %swap3A_370 = arith.constant 64 : index
      %swap3A_371 = tpu.vector_load %arg18[%swap3A_369, %swap3A_370] {strides = array<i32>} : memref<80x128xf32, #tpu.memory_space<vmem>>, vector<16xf32>,
      tpu.vector_store %arg18[%swap3A_369, %swap3A_370], %broadcast_in_dim3A_368 {strides = array<i32>} : memref<80x128xf32, #tpu.memory_space<vmem>>, vector<16xf32>,
      %broadcast_in_dim3A_372 = arith.constant 0.000000e+00 : f32
      %broadcast_in_dim3A_373 = vector.broadcast %broadcast_in_dim3A_372 : f32 to vector<16xf32>
      %swap3A_374 = arith.index_cast %scan3A_346 : i32 to index
      %swap3A_375 = arith.constant 80 : index
      %swap3A_376 = tpu.vector_load %arg18[%swap3A_374, %swap3A_375] {strides = array<i32>} : memref<80x128xf32, #tpu.memory_space<vmem>>, vector<16xf32>,
      tpu.vector_store %arg18[%swap3A_374, %swap3A_375], %broadcast_in_dim3A_373 {strides = array<i32>} : memref<80x128xf32, #tpu.memory_space<vmem>>, vector<16xf32>,
      %broadcast_in_dim3A_377 = arith.constant 0.000000e+00 : f32
      %broadcast_in_dim3A_378 = vector.broadcast %broadcast_in_dim3A_377 : f32 to vector<16xf32>
      %swap3A_379 = arith.index_cast %scan3A_346 : i32 to index
      %swap3A_380 = arith.constant 96 : index
      %swap3A_381 = tpu.vector_load %arg18[%swap3A_379, %swap3A_380] {strides = array<i32>} : memref<80x128xf32, #tpu.memory_space<vmem>>, vector<16xf32>,
      tpu.vector_store %arg18[%swap3A_379, %swap3A_380], %broadcast_in_dim3A_378 {strides = array<i32>} : memref<80x128xf32, #tpu.memory_space<vmem>>, vector<16xf32>,
      %broadcast_in_dim3A_382 = arith.constant 0.000000e+00 : f32
      %broadcast_in_dim3A_383 = vector.broadcast %broadcast_in_dim3A_382 : f32 to vector<16xf32>
      %swap3A_384 = arith.index_cast %scan3A_346 : i32 to index
      %swap3A_385 = arith.constant 112 : index
      %swap3A_386 = tpu.vector_load %arg18[%swap3A_384, %swap3A_385] {strides = array<i32>} : memref<80x128xf32, #tpu.memory_space<vmem>>, vector<16xf32>,
      tpu.vector_store %arg18[%swap3A_384, %swap3A_385], %broadcast_in_dim3A_383 {strides = array<i32>} : memref<80x128xf32, #tpu.memory_space<vmem>>, vector<16xf32>,
    }
    %scan3A_31 = arith.constant 80 : i32
    %scan3A_32 = arith.constant 0 : i32
    %scan3A_33 = arith.constant 0 : i32
    %scan3A_34 = arith.constant 8 : i32
    %scan3A_35 = arith.addi %scan3A_33, %scan3A_34 : i32
    %scan3A_36 = arith.constant 1 : i32
    scf.for %scan3A_346 = %scan3A_33 to %scan3A_35 step %scan3A_36  : i32 {
      %mul3A_347 = arith.constant 640 : i32
      %mul3A_348 = arith.muli %arg1, %mul3A_347 : i32
      %mul3A_349 = arith.constant 80 : i32
      %mul3A_350 = arith.muli %scan3A_346, %mul3A_349 : i32
      %add3A_351 = arith.addi %mul3A_348, %mul3A_350 : i32
      "tpu.region"() ({
        %run_scoped3A = tpu.sem_alloc : memref<!tpu.dma_semaphore, #tpu.memory_space<semaphore_mem>>
        %dma_start3A_352 = arith.constant 0 : i32
        %dma_start3A_353 = tpu.memref_slice %arg21[%add3A_351, %dma_start3A_352] : memref<10240x128xf32, #tpu.memory_space<vmem_shared>> -> memref<80x128xf32, #tpu.memory_space<vmem_shared>>
        %dma_start3A_354 = arith.constant 0 : i32
        %dma_start3A_355 = tpu.memref_slice %arg21[%add3A_351, %dma_start3A_354] : memref<10240x128xf32, #tpu.memory_space<vmem_shared>> -> memref<80x128xf32, #tpu.memory_space<vmem_shared>>
        tpu.enqueue_dma source(%arg18 : memref<80x128xf32, #tpu.memory_space<vmem>>) target(%dma_start3A_355 : memref<80x128xf32, #tpu.memory_space<vmem_shared>>) target_semaphore(%run_scoped3A : memref<!tpu.dma_semaphore, #tpu.memory_space<semaphore_mem>>)
        %dma_wait3A_356 = arith.constant 0 : i32
        %dma_wait3A_357 = tpu.memref_slice %arg21[%add3A_351, %dma_wait3A_356] : memref<10240x128xf32, #tpu.memory_space<vmem_shared>> -> memref<80x128xf32, #tpu.memory_space<vmem_shared>>
        %dma_wait3A_358 = arith.constant 0 : i32
        %dma_wait3A_359 = tpu.memref_slice %arg21[%add3A_351, %dma_wait3A_358] : memref<10240x128xf32, #tpu.memory_space<vmem_shared>> -> memref<80x128xf32, #tpu.memory_space<vmem_shared>>
        tpu.wait_dma2 semaphore(%run_scoped3A : memref<!tpu.dma_semaphore, #tpu.memory_space<semaphore_mem>>) src(%arg18 : memref<80x128xf32, #tpu.memory_space<vmem>>) dst(%dma_wait3A_359 : memref<80x128xf32, #tpu.memory_space<vmem_shared>>)
        tpu.yield
      }) : () -> ()
    }
    %scan3A_37 = arith.constant 8 : i32
    %lt3A = arith.constant 10 : i32
    %lt3A_38 = arith.cmpi slt, %arg1, %lt3A : i32
    %convert_element_type3A = arith.extui %lt3A_38 : i1 to i32
    %cond3A = arith.constant 0 : i32
    %cond3A_39 = arith.cmpi ne, %convert_element_type3A, %cond3A : i32
    scf.if %cond3A_39 {
      %mul3A_346 = arith.constant 8 : i32
      %mul3A_347 = arith.muli %arg1, %mul3A_346 : i32
      "tpu.region"() ({
        %run_scoped3A = tpu.sem_alloc : memref<!tpu.dma_semaphore, #tpu.memory_space<semaphore_mem>>
        %dma_start3A_348 = arith.constant 0 : i32
        %dma_start3A_349 = arith.constant 0 : i32
        %dma_start3A_350 = tpu.memref_slice %arg18[%dma_start3A_348, %dma_start3A_349] : memref<80x128xf32, #tpu.memory_space<vmem>> -> memref<8x128xf32, #tpu.memory_space<vmem>>
        %dma_start3A_351 = arith.constant 0 : i32
        %dma_start3A_352 = tpu.memref_slice %arg22[%mul3A_347, %dma_start3A_351] : memref<80x128xf32, #tpu.memory_space<vmem_shared>> -> memref<8x128xf32, #tpu.memory_space<vmem_shared>>
        %dma_start3A_353 = arith.constant 0 : i32
        %dma_start3A_354 = tpu.memref_slice %arg22[%mul3A_347, %dma_start3A_353] : memref<80x128xf32, #tpu.memory_space<vmem_shared>> -> memref<8x128xf32, #tpu.memory_space<vmem_shared>>
        %dma_start3A_355 = arith.constant 0 : i32
        %dma_start3A_356 = arith.constant 0 : i32
        %dma_start3A_357 = tpu.memref_slice %arg18[%dma_start3A_355, %dma_start3A_356] : memref<80x128xf32, #tpu.memory_space<vmem>> -> memref<8x128xf32, #tpu.memory_space<vmem>>
        tpu.enqueue_dma source(%dma_start3A_357 : memref<8x128xf32, #tpu.memory_space<vmem>>) target(%dma_start3A_354 : memref<8x128xf32, #tpu.memory_space<vmem_shared>>) target_semaphore(%run_scoped3A : memref<!tpu.dma_semaphore, #tpu.memory_space<semaphore_mem>>)
        %dma_wait3A_358 = arith.constant 0 : i32
        %dma_wait3A_359 = arith.constant 0 : i32
        %dma_wait3A_360 = tpu.memref_slice %arg18[%dma_wait3A_358, %dma_wait3A_359] : memref<80x128xf32, #tpu.memory_space<vmem>> -> memref<8x128xf32, #tpu.memory_space<vmem>>
        %dma_wait3A_361 = arith.constant 0 : i32
        %dma_wait3A_362 = tpu.memref_slice %arg22[%mul3A_347, %dma_wait3A_361] : memref<80x128xf32, #tpu.memory_space<vmem_shared>> -> memref<8x128xf32, #tpu.memory_space<vmem_shared>>
        %dma_wait3A_363 = arith.constant 0 : i32
        %dma_wait3A_364 = tpu.memref_slice %arg22[%mul3A_347, %dma_wait3A_363] : memref<80x128xf32, #tpu.memory_space<vmem_shared>> -> memref<8x128xf32, #tpu.memory_space<vmem_shared>>
        %dma_wait3A_365 = arith.constant 0 : i32
        %dma_wait3A_366 = arith.constant 0 : i32
        %dma_wait3A_367 = tpu.memref_slice %arg18[%dma_wait3A_365, %dma_wait3A_366] : memref<80x128xf32, #tpu.memory_space<vmem>> -> memref<8x128xf32, #tpu.memory_space<vmem>>
        tpu.wait_dma2 semaphore(%run_scoped3A : memref<!tpu.dma_semaphore, #tpu.memory_space<semaphore_mem>>) src(%dma_wait3A_367 : memref<8x128xf32, #tpu.memory_space<vmem>>) dst(%dma_wait3A_364 : memref<8x128xf32, #tpu.memory_space<vmem_shared>>)
        tpu.yield
      }) : () -> ()
    } else {
    }
    %barrier3A = arith.constant 0 : index
    tpu.barrier barrier_id(%barrier3A)
    %add3A_40 = arith.constant 0 : i32
    %add3A_41 = arith.addi %mul3A_2, %add3A_40 : i32
    %dma_start3A = tpu.memref_slice %arg4[%add3A_41] : memref<320016xi32, #tpu.memory_space<hbm>> -> memref<96xi32, #tpu.memory_space<hbm>>
    %dma_start3A_42 = tpu.memref_slice %arg4[%add3A_41] : memref<320016xi32, #tpu.memory_space<hbm>> -> memref<96xi32, #tpu.memory_space<hbm>>
    tpu.enqueue_dma source(%dma_start3A_42 : memref<96xi32, #tpu.memory_space<hbm>>) target(%arg11 : memref<96xi32, #tpu.memory_space<vmem>>) target_semaphore(%arg23 : memref<!tpu.dma_semaphore, #tpu.memory_space<semaphore_mem>>)
    %add3A_43 = arith.constant 0 : i32
    %add3A_44 = arith.addi %mul3A_2, %add3A_43 : i32
    %dma_start3A_45 = tpu.memref_slice %arg5[%add3A_44] : memref<320000xi32, #tpu.memory_space<hbm>> -> memref<80xi32, #tpu.memory_space<hbm>>
    %dma_start3A_46 = tpu.memref_slice %arg5[%add3A_44] : memref<320000xi32, #tpu.memory_space<hbm>> -> memref<80xi32, #tpu.memory_space<hbm>>
    tpu.enqueue_dma source(%dma_start3A_46 : memref<80xi32, #tpu.memory_space<hbm>>) target(%arg13 : memref<80xi32, #tpu.memory_space<vmem>>) target_semaphore(%arg23 : memref<!tpu.dma_semaphore, #tpu.memory_space<semaphore_mem>>)
    %add3A_47 = arith.constant 80 : i32
    %add3A_48 = arith.addi %mul3A_2, %add3A_47 : i32
    %dma_start3A_49 = tpu.memref_slice %arg4[%add3A_48] : memref<320016xi32, #tpu.memory_space<hbm>> -> memref<96xi32, #tpu.memory_space<hbm>>
    %dma_start3A_50 = tpu.memref_slice %arg4[%add3A_48] : memref<320016xi32, #tpu.memory_space<hbm>> -> memref<96xi32, #tpu.memory_space<hbm>>
    tpu.enqueue_dma source(%dma_start3A_50 : memref<96xi32, #tpu.memory_space<hbm>>) target(%arg12 : memref<96xi32, #tpu.memory_space<vmem>>) target_semaphore(%arg24 : memref<!tpu.dma_semaphore, #tpu.memory_space<semaphore_mem>>)
    %add3A_51 = arith.constant 80 : i32
    %add3A_52 = arith.addi %mul3A_2, %add3A_51 : i32
    %dma_start3A_53 = tpu.memref_slice %arg5[%add3A_52] : memref<320000xi32, #tpu.memory_space<hbm>> -> memref<80xi32, #tpu.memory_space<hbm>>
    %dma_start3A_54 = tpu.memref_slice %arg5[%add3A_52] : memref<320000xi32, #tpu.memory_space<hbm>> -> memref<80xi32, #tpu.memory_space<hbm>>
    tpu.enqueue_dma source(%dma_start3A_54 : memref<80xi32, #tpu.memory_space<hbm>>) target(%arg14 : memref<80xi32, #tpu.memory_space<vmem>>) target_semaphore(%arg24 : memref<!tpu.dma_semaphore, #tpu.memory_space<semaphore_mem>>)
    %dma_wait3A = arith.constant 0 : i32
    %dma_wait3A_55 = tpu.memref_slice %arg4[%dma_wait3A] : memref<320016xi32, #tpu.memory_space<hbm>> -> memref<96xi32, #tpu.memory_space<hbm>>
    %dma_wait3A_56 = arith.constant 0 : i32
    %dma_wait3A_57 = tpu.memref_slice %arg4[%dma_wait3A_56] : memref<320016xi32, #tpu.memory_space<hbm>> -> memref<96xi32, #tpu.memory_space<hbm>>
    tpu.wait_dma2 semaphore(%arg23 : memref<!tpu.dma_semaphore, #tpu.memory_space<semaphore_mem>>) src(%dma_wait3A_57 : memref<96xi32, #tpu.memory_space<hbm>>) dst(%arg11 : memref<96xi32, #tpu.memory_space<vmem>>)
    %dma_wait3A_58 = arith.constant 0 : i32
    %dma_wait3A_59 = tpu.memref_slice %arg5[%dma_wait3A_58] : memref<320000xi32, #tpu.memory_space<hbm>> -> memref<80xi32, #tpu.memory_space<hbm>>
    %dma_wait3A_60 = arith.constant 0 : i32
    %dma_wait3A_61 = tpu.memref_slice %arg5[%dma_wait3A_60] : memref<320000xi32, #tpu.memory_space<hbm>> -> memref<80xi32, #tpu.memory_space<hbm>>
    tpu.wait_dma2 semaphore(%arg23 : memref<!tpu.dma_semaphore, #tpu.memory_space<semaphore_mem>>) src(%dma_wait3A_61 : memref<80xi32, #tpu.memory_space<hbm>>) dst(%arg13 : memref<80xi32, #tpu.memory_space<vmem>>)
    %get3A = arith.constant 0 : index
    %get3A_62 = tpu.vector_load %arg11[%get3A] {strides = array<i32>} : memref<96xi32, #tpu.memory_space<vmem>>, vector<16xi32>,
    %get3A_63 = arith.constant 1 : index
    %get3A_64 = tpu.vector_load %arg11[%get3A_63] {strides = array<i32>} : memref<96xi32, #tpu.memory_space<vmem>>, vector<16xi32>,
    %get3A_65 = arith.constant 0 : index
    %get3A_66 = tpu.vector_load %arg13[%get3A_65] {strides = array<i32>} : memref<80xi32, #tpu.memory_space<vmem>>, vector<16xi32>,
    %swap3A_67 = arith.constant 0 : index
    %swap3A_68 = tpu.vector_load %arg15[%swap3A_67] {strides = array<i32>} : memref<80xi32, #tpu.memory_space<vmem>>, vector<16xi32>,
    tpu.vector_store %arg15[%swap3A_67], %get3A_62 {strides = array<i32>} : memref<80xi32, #tpu.memory_space<vmem>>, vector<16xi32>,
    %gather3A = tpu.vector_load_idx %arg8[%get3A_62] : memref<10008xi32, #tpu.memory_space<vmem>>[vector<16xi32>], vector<16xi32>,
    %gather3A_69 = tpu.vector_load_idx %arg8[%get3A_66] : memref<10008xi32, #tpu.memory_space<vmem>>[vector<16xi32>], vector<16xi32>,
    %and3A = arith.constant -65536 : i32
    %and3A_70 = vector.broadcast %and3A : i32 to vector<16xi32>
    %and3A_71 = arith.andi %gather3A, %and3A_70 : vector<16xi32>
    %bitcast3A = vector.bitcast %and3A_71 : vector<16xi32> to vector<16xf32>
    %shift_left3A = arith.constant 16 : i32
    %shift_left3A_72 = vector.broadcast %shift_left3A : i32 to vector<16xi32>
    %shift_left3A_73 = arith.shli %gather3A_69, %shift_left3A_72 : vector<16xi32>
    %bitcast3A_74 = vector.bitcast %shift_left3A_73 : vector<16xi32> to vector<16xf32>
    %add3A_75 = arith.addf %bitcast3A, %bitcast3A_74 : vector<16xf32>
    %ge3A = arith.constant 0.000000e+00 : f32
    %ge3A_76 = vector.broadcast %ge3A : f32 to vector<16xf32>
    %ge3A_77 = arith.cmpf oge, %add3A_75, %ge3A_76 : vector<16xf32>
    %mul3A_78 = arith.constant 2.000000e-01 : f32
    %mul3A_79 = vector.broadcast %mul3A_78 : f32 to vector<16xf32>
    %mul3A_80 = arith.mulf %mul3A_79, %add3A_75 : vector<16xf32>
    %select_n3A = arith.select %ge3A_77, %add3A_75, %mul3A_80 : vector<16xi1>, vector<16xf32>
    %exp3A = math.exp %select_n3A : vector<16xf32>
    %swap3A_81 = arith.constant 0 : index
    %swap3A_82 = tpu.vector_load %arg9[%swap3A_81] {strides = array<i32>} : memref<96xf32, #tpu.memory_space<vmem>>, vector<16xf32>,
    tpu.vector_store %arg9[%swap3A_81], %exp3A {strides = array<i32>} : memref<96xf32, #tpu.memory_space<vmem>>, vector<16xf32>,
    %broadcast_in_dim3A = arith.constant true
    %broadcast_in_dim3A_83 = vector.broadcast %broadcast_in_dim3A : i1 to vector<16xi1>
    %masked_cumsum3A = tpu.scan <sum>, %exp3A masked %broadcast_in_dim3A_83 : vector<16xf32>, vector<16xi1> -> vector<16xf32>
    %ne3A = arith.cmpi ne, %get3A_62, %get3A_64 : vector<16xi32>
    %eq3A = arith.constant 15 : i32
    %eq3A_84 = vector.broadcast %eq3A : i32 to vector<16xi32>
    %eq3A_85 = arith.cmpi eq, %iota3A, %eq3A_84 : vector<16xi32>
    %or3A = arith.ori %ne3A, %eq3A_85 : vector<16xi1>
    %shift_right_logical3A = arith.constant 7 : i32
    %shift_right_logical3A_86 = vector.broadcast %shift_right_logical3A : i32 to vector<16xi32>
    %shift_right_logical3A_87 = arith.shrui %get3A_62, %shift_right_logical3A_86 : vector<16xi32>
    %and3A_88 = arith.constant 127 : i32
    %and3A_89 = vector.broadcast %and3A_88 : i32 to vector<16xi32>
    %and3A_90 = arith.andi %get3A_62, %and3A_89 : vector<16xi32>
    tpu.vector_store_idx %arg18[%shift_right_logical3A_87, %and3A_90], %masked_cumsum3A masked %or3A {add = true} : memref<80x128xf32, #tpu.memory_space<vmem>>[vector<16xi32>, vector<16xi32>], vector<16xf32>, vector<16xi1>
    %ne3A_91 = arith.constant 15 : i32
    %ne3A_92 = vector.broadcast %ne3A_91 : i32 to vector<16xi32>
    %ne3A_93 = arith.cmpi ne, %iota3A, %ne3A_92 : vector<16xi32>
    %and3A_94 = arith.andi %or3A, %ne3A_93 : vector<16xi1>
    %shift_right_logical3A_95 = arith.constant 7 : i32
    %shift_right_logical3A_96 = vector.broadcast %shift_right_logical3A_95 : i32 to vector<16xi32>
    %shift_right_logical3A_97 = arith.shrui %get3A_64, %shift_right_logical3A_96 : vector<16xi32>
    %and3A_98 = arith.constant 127 : i32
    %and3A_99 = vector.broadcast %and3A_98 : i32 to vector<16xi32>
    %and3A_100 = arith.andi %get3A_64, %and3A_99 : vector<16xi32>
    %neg3A = arith.constant 0.000000e+00 : f32
    %neg3A_101 = vector.broadcast %neg3A : f32 to vector<16xf32>
    %neg3A_102 = arith.subf %neg3A_101, %masked_cumsum3A : vector<16xf32>
    tpu.vector_store_idx %arg18[%shift_right_logical3A_97, %and3A_100], %neg3A_102 masked %and3A_94 {add = true} : memref<80x128xf32, #tpu.memory_space<vmem>>[vector<16xi32>, vector<16xi32>], vector<16xf32>, vector<16xi1>
    %get3A_103 = arith.constant 16 : index
    %get3A_104 = tpu.vector_load %arg11[%get3A_103] {strides = array<i32>} : memref<96xi32, #tpu.memory_space<vmem>>, vector<16xi32>,
    %get3A_105 = arith.constant 17 : index
    %get3A_106 = tpu.vector_load %arg11[%get3A_105] {strides = array<i32>} : memref<96xi32, #tpu.memory_space<vmem>>, vector<16xi32>,
    %get3A_107 = arith.constant 16 : index
    %get3A_108 = tpu.vector_load %arg13[%get3A_107] {strides = array<i32>} : memref<80xi32, #tpu.memory_space<vmem>>, vector<16xi32>,
    %swap3A_109 = arith.constant 16 : index
    %swap3A_110 = tpu.vector_load %arg15[%swap3A_109] {strides = array<i32>} : memref<80xi32, #tpu.memory_space<vmem>>, vector<16xi32>,
    tpu.vector_store %arg15[%swap3A_109], %get3A_104 {strides = array<i32>} : memref<80xi32, #tpu.memory_space<vmem>>, vector<16xi32>,
    %gather3A_111 = tpu.vector_load_idx %arg8[%get3A_104] : memref<10008xi32, #tpu.memory_space<vmem>>[vector<16xi32>], vector<16xi32>,
    %gather3A_112 = tpu.vector_load_idx %arg8[%get3A_108] : memref<10008xi32, #tpu.memory_space<vmem>>[vector<16xi32>], vector<16xi32>,
    %and3A_113 = arith.constant -65536 : i32
    %and3A_114 = vector.broadcast %and3A_113 : i32 to vector<16xi32>
    %and3A_115 = arith.andi %gather3A_111, %and3A_114 : vector<16xi32>
    %bitcast3A_116 = vector.bitcast %and3A_115 : vector<16xi32> to vector<16xf32>
    %shift_left3A_117 = arith.constant 16 : i32
    %shift_left3A_118 = vector.broadcast %shift_left3A_117 : i32 to vector<16xi32>
    %shift_left3A_119 = arith.shli %gather3A_112, %shift_left3A_118 : vector<16xi32>
    %bitcast3A_120 = vector.bitcast %shift_left3A_119 : vector<16xi32> to vector<16xf32>
    %add3A_121 = arith.addf %bitcast3A_116, %bitcast3A_120 : vector<16xf32>
    %ge3A_122 = arith.constant 0.000000e+00 : f32
    %ge3A_123 = vector.broadcast %ge3A_122 : f32 to vector<16xf32>
    %ge3A_124 = arith.cmpf oge, %add3A_121, %ge3A_123 : vector<16xf32>
    %mul3A_125 = arith.constant 2.000000e-01 : f32
    %mul3A_126 = vector.broadcast %mul3A_125 : f32 to vector<16xf32>
    %mul3A_127 = arith.mulf %mul3A_126, %add3A_121 : vector<16xf32>
    %select_n3A_128 = arith.select %ge3A_124, %add3A_121, %mul3A_127 : vector<16xi1>, vector<16xf32>
    %exp3A_129 = math.exp %select_n3A_128 : vector<16xf32>
    %swap3A_130 = arith.constant 16 : index
    %swap3A_131 = tpu.vector_load %arg9[%swap3A_130] {strides = array<i32>} : memref<96xf32, #tpu.memory_space<vmem>>, vector<16xf32>,
    tpu.vector_store %arg9[%swap3A_130], %exp3A_129 {strides = array<i32>} : memref<96xf32, #tpu.memory_space<vmem>>, vector<16xf32>,
    %broadcast_in_dim3A_132 = arith.constant true
    %broadcast_in_dim3A_133 = vector.broadcast %broadcast_in_dim3A_132 : i1 to vector<16xi1>
    %masked_cumsum3A_134 = tpu.scan <sum>, %exp3A_129 masked %broadcast_in_dim3A_133 : vector<16xf32>, vector<16xi1> -> vector<16xf32>
    %ne3A_135 = arith.cmpi ne, %get3A_104, %get3A_106 : vector<16xi32>
    %eq3A_136 = arith.constant 15 : i32
    %eq3A_137 = vector.broadcast %eq3A_136 : i32 to vector<16xi32>
    %eq3A_138 = arith.cmpi eq, %iota3A, %eq3A_137 : vector<16xi32>
    %or3A_139 = arith.ori %ne3A_135, %eq3A_138 : vector<16xi1>
    %shift_right_logical3A_140 = arith.constant 7 : i32
    %shift_right_logical3A_141 = vector.broadcast %shift_right_logical3A_140 : i32 to vector<16xi32>
    %shift_right_logical3A_142 = arith.shrui %get3A_104, %shift_right_logical3A_141 : vector<16xi32>
    %and3A_143 = arith.constant 127 : i32
    %and3A_144 = vector.broadcast %and3A_143 : i32 to vector<16xi32>
    %and3A_145 = arith.andi %get3A_104, %and3A_144 : vector<16xi32>
    tpu.vector_store_idx %arg18[%shift_right_logical3A_142, %and3A_145], %masked_cumsum3A_134 masked %or3A_139 {add = true} : memref<80x128xf32, #tpu.memory_space<vmem>>[vector<16xi32>, vector<16xi32>], vector<16xf32>, vector<16xi1>
    %ne3A_146 = arith.constant 15 : i32
    %ne3A_147 = vector.broadcast %ne3A_146 : i32 to vector<16xi32>
    %ne3A_148 = arith.cmpi ne, %iota3A, %ne3A_147 : vector<16xi32>
    %and3A_149 = arith.andi %or3A_139, %ne3A_148 : vector<16xi1>
    %shift_right_logical3A_150 = arith.constant 7 : i32
    %shift_right_logical3A_151 = vector.broadcast %shift_right_logical3A_150 : i32 to vector<16xi32>
    %shift_right_logical3A_152 = arith.shrui %get3A_106, %shift_right_logical3A_151 : vector<16xi32>
    %and3A_153 = arith.constant 127 : i32
    %and3A_154 = vector.broadcast %and3A_153 : i32 to vector<16xi32>
    %and3A_155 = arith.andi %get3A_106, %and3A_154 : vector<16xi32>
    %neg3A_156 = arith.constant 0.000000e+00 : f32
    %neg3A_157 = vector.broadcast %neg3A_156 : f32 to vector<16xf32>
    %neg3A_158 = arith.subf %neg3A_157, %masked_cumsum3A_134 : vector<16xf32>
    tpu.vector_store_idx %arg18[%shift_right_logical3A_152, %and3A_155], %neg3A_158 masked %and3A_149 {add = true} : memref<80x128xf32, #tpu.memory_space<vmem>>[vector<16xi32>, vector<16xi32>], vector<16xf32>, vector<16xi1>
    %get3A_159 = arith.constant 32 : index
    %get3A_160 = tpu.vector_load %arg11[%get3A_159] {strides = array<i32>} : memref<96xi32, #tpu.memory_space<vmem>>, vector<16xi32>,
    %get3A_161 = arith.constant 33 : index
    %get3A_162 = tpu.vector_load %arg11[%get3A_161] {strides = array<i32>} : memref<96xi32, #tpu.memory_space<vmem>>, vector<16xi32>,
    %get3A_163 = arith.constant 32 : index
    %get3A_164 = tpu.vector_load %arg13[%get3A_163] {strides = array<i32>} : memref<80xi32, #tpu.memory_space<vmem>>, vector<16xi32>,
    %swap3A_165 = arith.constant 32 : index
    %swap3A_166 = tpu.vector_load %arg15[%swap3A_165] {strides = array<i32>} : memref<80xi32, #tpu.memory_space<vmem>>, vector<16xi32>,
    tpu.vector_store %arg15[%swap3A_165], %get3A_160 {strides = array<i32>} : memref<80xi32, #tpu.memory_space<vmem>>, vector<16xi32>,
    %gather3A_167 = tpu.vector_load_idx %arg8[%get3A_160] : memref<10008xi32, #tpu.memory_space<vmem>>[vector<16xi32>], vector<16xi32>,
    %gather3A_168 = tpu.vector_load_idx %arg8[%get3A_164] : memref<10008xi32, #tpu.memory_space<vmem>>[vector<16xi32>], vector<16xi32>,
    %and3A_169 = arith.constant -65536 : i32
    %and3A_170 = vector.broadcast %and3A_169 : i32 to vector<16xi32>
    %and3A_171 = arith.andi %gather3A_167, %and3A_170 : vector<16xi32>
    %bitcast3A_172 = vector.bitcast %and3A_171 : vector<16xi32> to vector<16xf32>
    %shift_left3A_173 = arith.constant 16 : i32
    %shift_left3A_174 = vector.broadcast %shift_left3A_173 : i32 to vector<16xi32>
    %shift_left3A_175 = arith.shli %gather3A_168, %shift_left3A_174 : vector<16xi32>
    %bitcast3A_176 = vector.bitcast %shift_left3A_175 : vector<16xi32> to vector<16xf32>
    %add3A_177 = arith.addf %bitcast3A_172, %bitcast3A_176 : vector<16xf32>
    %ge3A_178 = arith.constant 0.000000e+00 : f32
    %ge3A_179 = vector.broadcast %ge3A_178 : f32 to vector<16xf32>
    %ge3A_180 = arith.cmpf oge, %add3A_177, %ge3A_179 : vector<16xf32>
    %mul3A_181 = arith.constant 2.000000e-01 : f32
    %mul3A_182 = vector.broadcast %mul3A_181 : f32 to vector<16xf32>
    %mul3A_183 = arith.mulf %mul3A_182, %add3A_177 : vector<16xf32>
    %select_n3A_184 = arith.select %ge3A_180, %add3A_177, %mul3A_183 : vector<16xi1>, vector<16xf32>
    %exp3A_185 = math.exp %select_n3A_184 : vector<16xf32>
    %swap3A_186 = arith.constant 32 : index
    %swap3A_187 = tpu.vector_load %arg9[%swap3A_186] {strides = array<i32>} : memref<96xf32, #tpu.memory_space<vmem>>, vector<16xf32>,
    tpu.vector_store %arg9[%swap3A_186], %exp3A_185 {strides = array<i32>} : memref<96xf32, #tpu.memory_space<vmem>>, vector<16xf32>,
    %broadcast_in_dim3A_188 = arith.constant true
    %broadcast_in_dim3A_189 = vector.broadcast %broadcast_in_dim3A_188 : i1 to vector<16xi1>
    %masked_cumsum3A_190 = tpu.scan <sum>, %exp3A_185 masked %broadcast_in_dim3A_189 : vector<16xf32>, vector<16xi1> -> vector<16xf32>
    %ne3A_191 = arith.cmpi ne, %get3A_160, %get3A_162 : vector<16xi32>
    %eq3A_192 = arith.constant 15 : i32
    %eq3A_193 = vector.broadcast %eq3A_192 : i32 to vector<16xi32>
    %eq3A_194 = arith.cmpi eq, %iota3A, %eq3A_193 : vector<16xi32>
    %or3A_195 = arith.ori %ne3A_191, %eq3A_194 : vector<16xi1>
    %shift_right_logical3A_196 = arith.constant 7 : i32
    %shift_right_logical3A_197 = vector.broadcast %shift_right_logical3A_196 : i32 to vector<16xi32>
    %shift_right_logical3A_198 = arith.shrui %get3A_160, %shift_right_logical3A_197 : vector<16xi32>
    %and3A_199 = arith.constant 127 : i32
    %and3A_200 = vector.broadcast %and3A_199 : i32 to vector<16xi32>
    %and3A_201 = arith.andi %get3A_160, %and3A_200 : vector<16xi32>
    tpu.vector_store_idx %arg18[%shift_right_logical3A_198, %and3A_201], %masked_cumsum3A_190 masked %or3A_195 {add = true} : memref<80x128xf32, #tpu.memory_space<vmem>>[vector<16xi32>, vector<16xi32>], vector<16xf32>, vector<16xi1>
    %ne3A_202 = arith.constant 15 : i32
    %ne3A_203 = vector.broadcast %ne3A_202 : i32 to vector<16xi32>
    %ne3A_204 = arith.cmpi ne, %iota3A, %ne3A_203 : vector<16xi32>
    %and3A_205 = arith.andi %or3A_195, %ne3A_204 : vector<16xi1>
    %shift_right_logical3A_206 = arith.constant 7 : i32
    %shift_right_logical3A_207 = vector.broadcast %shift_right_logical3A_206 : i32 to vector<16xi32>
    %shift_right_logical3A_208 = arith.shrui %get3A_162, %shift_right_logical3A_207 : vector<16xi32>
    %and3A_209 = arith.constant 127 : i32
    %and3A_210 = vector.broadcast %and3A_209 : i32 to vector<16xi32>
    %and3A_211 = arith.andi %get3A_162, %and3A_210 : vector<16xi32>
    %neg3A_212 = arith.constant 0.000000e+00 : f32
    %neg3A_213 = vector.broadcast %neg3A_212 : f32 to vector<16xf32>
    %neg3A_214 = arith.subf %neg3A_213, %masked_cumsum3A_190 : vector<16xf32>
    tpu.vector_store_idx %arg18[%shift_right_logical3A_208, %and3A_211], %neg3A_214 masked %and3A_205 {add = true} : memref<80x128xf32, #tpu.memory_space<vmem>>[vector<16xi32>, vector<16xi32>], vector<16xf32>, vector<16xi1>
    %get3A_215 = arith.constant 48 : index
    %get3A_216 = tpu.vector_load %arg11[%get3A_215] {strides = array<i32>} : memref<96xi32, #tpu.memory_space<vmem>>, vector<16xi32>,
    %get3A_217 = arith.constant 49 : index
    %get3A_218 = tpu.vector_load %arg11[%get3A_217] {strides = array<i32>} : memref<96xi32, #tpu.memory_space<vmem>>, vector<16xi32>,
    %get3A_219 = arith.constant 48 : index
    %get3A_220 = tpu.vector_load %arg13[%get3A_219] {strides = array<i32>} : memref<80xi32, #tpu.memory_space<vmem>>, vector<16xi32>,
    %swap3A_221 = arith.constant 48 : index
    %swap3A_222 = tpu.vector_load %arg15[%swap3A_221] {strides = array<i32>} : memref<80xi32, #tpu.memory_space<vmem>>, vector<16xi32>,
    tpu.vector_store %arg15[%swap3A_221], %get3A_216 {strides = array<i32>} : memref<80xi32, #tpu.memory_space<vmem>>, vector<16xi32>,
    %gather3A_223 = tpu.vector_load_idx %arg8[%get3A_216] : memref<10008xi32, #tpu.memory_space<vmem>>[vector<16xi32>], vector<16xi32>,
    %gather3A_224 = tpu.vector_load_idx %arg8[%get3A_220] : memref<10008xi32, #tpu.memory_space<vmem>>[vector<16xi32>], vector<16xi32>,
    %and3A_225 = arith.constant -65536 : i32
    %and3A_226 = vector.broadcast %and3A_225 : i32 to vector<16xi32>
    %and3A_227 = arith.andi %gather3A_223, %and3A_226 : vector<16xi32>
    %bitcast3A_228 = vector.bitcast %and3A_227 : vector<16xi32> to vector<16xf32>
    %shift_left3A_229 = arith.constant 16 : i32
    %shift_left3A_230 = vector.broadcast %shift_left3A_229 : i32 to vector<16xi32>
    %shift_left3A_231 = arith.shli %gather3A_224, %shift_left3A_230 : vector<16xi32>
    %bitcast3A_232 = vector.bitcast %shift_left3A_231 : vector<16xi32> to vector<16xf32>
    %add3A_233 = arith.addf %bitcast3A_228, %bitcast3A_232 : vector<16xf32>
    %ge3A_234 = arith.constant 0.000000e+00 : f32
    %ge3A_235 = vector.broadcast %ge3A_234 : f32 to vector<16xf32>
    %ge3A_236 = arith.cmpf oge, %add3A_233, %ge3A_235 : vector<16xf32>
    %mul3A_237 = arith.constant 2.000000e-01 : f32
    %mul3A_238 = vector.broadcast %mul3A_237 : f32 to vector<16xf32>
    %mul3A_239 = arith.mulf %mul3A_238, %add3A_233 : vector<16xf32>
    %select_n3A_240 = arith.select %ge3A_236, %add3A_233, %mul3A_239 : vector<16xi1>, vector<16xf32>
    %exp3A_241 = math.exp %select_n3A_240 : vector<16xf32>
    %swap3A_242 = arith.constant 48 : index
    %swap3A_243 = tpu.vector_load %arg9[%swap3A_242] {strides = array<i32>} : memref<96xf32, #tpu.memory_space<vmem>>, vector<16xf32>,
    tpu.vector_store %arg9[%swap3A_242], %exp3A_241 {strides = array<i32>} : memref<96xf32, #tpu.memory_space<vmem>>, vector<16xf32>,
    %broadcast_in_dim3A_244 = arith.constant true
    %broadcast_in_dim3A_245 = vector.broadcast %broadcast_in_dim3A_244 : i1 to vector<16xi1>
    %masked_cumsum3A_246 = tpu.scan <sum>, %exp3A_241 masked %broadcast_in_dim3A_245 : vector<16xf32>, vector<16xi1> -> vector<16xf32>
    %ne3A_247 = arith.cmpi ne, %get3A_216, %get3A_218 : vector<16xi32>
    %eq3A_248 = arith.constant 15 : i32
    %eq3A_249 = vector.broadcast %eq3A_248 : i32 to vector<16xi32>
    %eq3A_250 = arith.cmpi eq, %iota3A, %eq3A_249 : vector<16xi32>
    %or3A_251 = arith.ori %ne3A_247, %eq3A_250 : vector<16xi1>
    %shift_right_logical3A_252 = arith.constant 7 : i32
    %shift_right_logical3A_253 = vector.broadcast %shift_right_logical3A_252 : i32 to vector<16xi32>
    %shift_right_logical3A_254 = arith.shrui %get3A_216, %shift_right_logical3A_253 : vector<16xi32>
    %and3A_255 = arith.constant 127 : i32
    %and3A_256 = vector.broadcast %and3A_255 : i32 to vector<16xi32>
    %and3A_257 = arith.andi %get3A_216, %and3A_256 : vector<16xi32>
    tpu.vector_store_idx %arg18[%shift_right_logical3A_254, %and3A_257], %masked_cumsum3A_246 masked %or3A_251 {add = true} : memref<80x128xf32, #tpu.memory_space<vmem>>[vector<16xi32>, vector<16xi32>], vector<16xf32>, vector<16xi1>
    %ne3A_258 = arith.constant 15 : i32
    %ne3A_259 = vector.broadcast %ne3A_258 : i32 to vector<16xi32>
    %ne3A_260 = arith.cmpi ne, %iota3A, %ne3A_259 : vector<16xi32>
    %and3A_261 = arith.andi %or3A_251, %ne3A_260 : vector<16xi1>
    %shift_right_logical3A_262 = arith.constant 7 : i32
    %shift_right_logical3A_263 = vector.broadcast %shift_right_logical3A_262 : i32 to vector<16xi32>
    %shift_right_logical3A_264 = arith.shrui %get3A_218, %shift_right_logical3A_263 : vector<16xi32>
    %and3A_265 = arith.constant 127 : i32
    %and3A_266 = vector.broadcast %and3A_265 : i32 to vector<16xi32>
    %and3A_267 = arith.andi %get3A_218, %and3A_266 : vector<16xi32>
    %neg3A_268 = arith.constant 0.000000e+00 : f32
    %neg3A_269 = vector.broadcast %neg3A_268 : f32 to vector<16xf32>
    %neg3A_270 = arith.subf %neg3A_269, %masked_cumsum3A_246 : vector<16xf32>
    tpu.vector_store_idx %arg18[%shift_right_logical3A_264, %and3A_267], %neg3A_270 masked %and3A_261 {add = true} : memref<80x128xf32, #tpu.memory_space<vmem>>[vector<16xi32>, vector<16xi32>], vector<16xf32>, vector<16xi1>
    %get3A_271 = arith.constant 64 : index
    %get3A_272 = tpu.vector_load %arg11[%get3A_271] {strides = array<i32>} : memref<96xi32, #tpu.memory_space<vmem>>, vector<16xi32>,
    %get3A_273 = arith.constant 65 : index
    %get3A_274 = tpu.vector_load %arg11[%get3A_273] {strides = array<i32>} : memref<96xi32, #tpu.memory_space<vmem>>, vector<16xi32>,
    %get3A_275 = arith.constant 64 : index
    %get3A_276 = tpu.vector_load %arg13[%get3A_275] {strides = array<i32>} : memref<80xi32, #tpu.memory_space<vmem>>, vector<16xi32>,
    %swap3A_277 = arith.constant 64 : index
    %swap3A_278 = tpu.vector_load %arg15[%swap3A_277] {strides = array<i32>} : memref<80xi32, #tpu.memory_space<vmem>>, vector<16xi32>,
    tpu.vector_store %arg15[%swap3A_277], %get3A_272 {strides = array<i32>} : memref<80xi32, #tpu.memory_space<vmem>>, vector<16xi32>,
    %gather3A_279 = tpu.vector_load_idx %arg8[%get3A_272] : memref<10008xi32, #tpu.memory_space<vmem>>[vector<16xi32>], vector<16xi32>,
    %gather3A_280 = tpu.vector_load_idx %arg8[%get3A_276] : memref<10008xi32, #tpu.memory_space<vmem>>[vector<16xi32>], vector<16xi32>,
    %and3A_281 = arith.constant -65536 : i32
    %and3A_282 = vector.broadcast %and3A_281 : i32 to vector<16xi32>
    %and3A_283 = arith.andi %gather3A_279, %and3A_282 : vector<16xi32>
    %bitcast3A_284 = vector.bitcast %and3A_283 : vector<16xi32> to vector<16xf32>
    %shift_left3A_285 = arith.constant 16 : i32
    %shift_left3A_286 = vector.broadcast %shift_left3A_285 : i32 to vector<16xi32>
    %shift_left3A_287 = arith.shli %gather3A_280, %shift_left3A_286 : vector<16xi32>
    %bitcast3A_288 = vector.bitcast %shift_left3A_287 : vector<16xi32> to vector<16xf32>
    %add3A_289 = arith.addf %bitcast3A_284, %bitcast3A_288 : vector<16xf32>
    %ge3A_290 = arith.constant 0.000000e+00 : f32
    %ge3A_291 = vector.broadcast %ge3A_290 : f32 to vector<16xf32>
    %ge3A_292 = arith.cmpf oge, %add3A_289, %ge3A_291 : vector<16xf32>
    %mul3A_293 = arith.constant 2.000000e-01 : f32
    %mul3A_294 = vector.broadcast %mul3A_293 : f32 to vector<16xf32>
    %mul3A_295 = arith.mulf %mul3A_294, %add3A_289 : vector<16xf32>
    %select_n3A_296 = arith.select %ge3A_292, %add3A_289, %mul3A_295 : vector<16xi1>, vector<16xf32>
    %exp3A_297 = math.exp %select_n3A_296 : vector<16xf32>
    %swap3A_298 = arith.constant 64 : index
    %swap3A_299 = tpu.vector_load %arg9[%swap3A_298] {strides = array<i32>} : memref<96xf32, #tpu.memory_space<vmem>>, vector<16xf32>,
    tpu.vector_store %arg9[%swap3A_298], %exp3A_297 {strides = array<i32>} : memref<96xf32, #tpu.memory_space<vmem>>, vector<16xf32>,
    %broadcast_in_dim3A_300 = arith.constant true
    %broadcast_in_dim3A_301 = vector.broadcast %broadcast_in_dim3A_300 : i1 to vector<16xi1>
    %masked_cumsum3A_302 = tpu.scan <sum>, %exp3A_297 masked %broadcast_in_dim3A_301 : vector<16xf32>, vector<16xi1> -> vector<16xf32>
    %ne3A_303 = arith.cmpi ne, %get3A_272, %get3A_274 : vector<16xi32>
    %eq3A_304 = arith.constant 15 : i32
    %eq3A_305 = vector.broadcast %eq3A_304 : i32 to vector<16xi32>
    %eq3A_306 = arith.cmpi eq, %iota3A, %eq3A_305 : vector<16xi32>
    %or3A_307 = arith.ori %ne3A_303, %eq3A_306 : vector<16xi1>
    %shift_right_logical3A_308 = arith.constant 7 : i32
    %shift_right_logical3A_309 = vector.broadcast %shift_right_logical3A_308 : i32 to vector<16xi32>
    %shift_right_logical3A_310 = arith.shrui %get3A_272, %shift_right_logical3A_309 : vector<16xi32>
    %and3A_311 = arith.constant 127 : i32
    %and3A_312 = vector.broadcast %and3A_311 : i32 to vector<16xi32>
    %and3A_313 = arith.andi %get3A_272, %and3A_312 : vector<16xi32>
    tpu.vector_store_idx %arg18[%shift_right_logical3A_310, %and3A_313], %masked_cumsum3A_302 masked %or3A_307 {add = true} : memref<80x128xf32, #tpu.memory_space<vmem>>[vector<16xi32>, vector<16xi32>], vector<16xf32>, vector<16xi1>
    %ne3A_314 = arith.constant 15 : i32
    %ne3A_315 = vector.broadcast %ne3A_314 : i32 to vector<16xi32>
    %ne3A_316 = arith.cmpi ne, %iota3A, %ne3A_315 : vector<16xi32>
    %and3A_317 = arith.andi %or3A_307, %ne3A_316 : vector<16xi1>
    %shift_right_logical3A_318 = arith.constant 7 : i32
    %shift_right_logical3A_319 = vector.broadcast %shift_right_logical3A_318 : i32 to vector<16xi32>
    %shift_right_logical3A_320 = arith.shrui %get3A_274, %shift_right_logical3A_319 : vector<16xi32>
    %and3A_321 = arith.constant 127 : i32
    %and3A_322 = vector.broadcast %and3A_321 : i32 to vector<16xi32>
    %and3A_323 = arith.andi %get3A_274, %and3A_322 : vector<16xi32>
    %neg3A_324 = arith.constant 0.000000e+00 : f32
    %neg3A_325 = vector.broadcast %neg3A_324 : f32 to vector<16xf32>
    %neg3A_326 = arith.subf %neg3A_325, %masked_cumsum3A_302 : vector<16xf32>
    tpu.vector_store_idx %arg18[%shift_right_logical3A_320, %and3A_323], %neg3A_326 masked %and3A_317 {add = true} : memref<80x128xf32, #tpu.memory_space<vmem>>[vector<16xi32>, vector<16xi32>], vector<16xf32>, vector<16xi1>
    %dma_start3A_327 = arith.constant 0 : i32
    %dma_start3A_328 = arith.constant 0 : i32
    %dma_start3A_329 = tpu.memref_slice %arg2[%dma_start3A_327, %dma_start3A_328] : memref<10008x128xf32, #tpu.memory_space<hbm>> -> memref<10008x128xf32, #tpu.memory_space<hbm>>
    tpu.enqueue_indirect_dma source(%dma_start3A_329 : memref<10008x128xf32, #tpu.memory_space<hbm>>) target(%arg19 : memref<80x128xf32, #tpu.memory_space<vmem>>) offsets(%arg13 : memref<80xi32, #tpu.memory_space<vmem>>) semaphore(%arg25 : memref<!tpu.dma_semaphore, #tpu.memory_space<semaphore_mem>>)
    %scan3A_330 = arith.constant 0 : i32
    %scan3A_331 = arith.constant 0 : i32
    %scan3A_332 = arith.constant 125 : i32
    %scan3A_333 = arith.addi %scan3A_331, %scan3A_332 : i32
    %scan3A_334 = arith.constant 1 : i32
    scf.for %scan3A_346 = %scan3A_331 to %scan3A_333 step %scan3A_334  : i32 {
      %mul3A_347 = arith.constant 2 : i32
      %mul3A_348 = arith.muli %mul3A_347, %scan3A_346 : i32
      %add3A_349 = arith.constant 2 : i32
      %add3A_350 = arith.addi %mul3A_348, %add3A_349 : i32
      %lt3A_351 = arith.constant 250 : i32
      %lt3A_352 = arith.cmpi slt, %add3A_350, %lt3A_351 : i32
      %convert_element_type3A_353 = arith.extui %lt3A_352 : i1 to i32
      %cond3A_354 = arith.constant 0 : i32
      %cond3A_355 = arith.cmpi ne, %convert_element_type3A_353, %cond3A_354 : i32
      scf.if %cond3A_355 {
        %add3A_685 = arith.constant 2 : i32
        %add3A_686 = arith.addi %mul3A_348, %add3A_685 : i32
        %mul3A_687 = arith.constant 80 : i32
        %mul3A_688 = arith.muli %add3A_686, %mul3A_687 : i32
        %add3A_689 = arith.addi %mul3A_2, %mul3A_688 : i32
        %dma_start3A_690 = tpu.memref_slice %arg4[%add3A_689] : memref<320016xi32, #tpu.memory_space<hbm>> -> memref<96xi32, #tpu.memory_space<hbm>>
        %dma_start3A_691 = tpu.memref_slice %arg4[%add3A_689] : memref<320016xi32, #tpu.memory_space<hbm>> -> memref<96xi32, #tpu.memory_space<hbm>>
        tpu.enqueue_dma source(%dma_start3A_691 : memref<96xi32, #tpu.memory_space<hbm>>) target(%arg11 : memref<96xi32, #tpu.memory_space<vmem>>) target_semaphore(%arg23 : memref<!tpu.dma_semaphore, #tpu.memory_space<semaphore_mem>>)
        %mul3A_692 = arith.constant 80 : i32
        %mul3A_693 = arith.muli %add3A_686, %mul3A_692 : i32
        %add3A_694 = arith.addi %mul3A_2, %mul3A_693 : i32
        %dma_start3A_695 = tpu.memref_slice %arg5[%add3A_694] : memref<320000xi32, #tpu.memory_space<hbm>> -> memref<80xi32, #tpu.memory_space<hbm>>
        %dma_start3A_696 = tpu.memref_slice %arg5[%add3A_694] : memref<320000xi32, #tpu.memory_space<hbm>> -> memref<80xi32, #tpu.memory_space<hbm>>
        tpu.enqueue_dma source(%dma_start3A_696 : memref<80xi32, #tpu.memory_space<hbm>>) target(%arg13 : memref<80xi32, #tpu.memory_space<vmem>>) target_semaphore(%arg23 : memref<!tpu.dma_semaphore, #tpu.memory_space<semaphore_mem>>)
      } else {
      }
      %dma_wait3A_356 = arith.constant 0 : i32
      %dma_wait3A_357 = tpu.memref_slice %arg4[%dma_wait3A_356] : memref<320016xi32, #tpu.memory_space<hbm>> -> memref<96xi32, #tpu.memory_space<hbm>>
      %dma_wait3A_358 = arith.constant 0 : i32
      %dma_wait3A_359 = tpu.memref_slice %arg4[%dma_wait3A_358] : memref<320016xi32, #tpu.memory_space<hbm>> -> memref<96xi32, #tpu.memory_space<hbm>>
      tpu.wait_dma2 semaphore(%arg24 : memref<!tpu.dma_semaphore, #tpu.memory_space<semaphore_mem>>) src(%dma_wait3A_359 : memref<96xi32, #tpu.memory_space<hbm>>) dst(%arg12 : memref<96xi32, #tpu.memory_space<vmem>>)
      %dma_wait3A_360 = arith.constant 0 : i32
      %dma_wait3A_361 = tpu.memref_slice %arg5[%dma_wait3A_360] : memref<320000xi32, #tpu.memory_space<hbm>> -> memref<80xi32, #tpu.memory_space<hbm>>
      %dma_wait3A_362 = arith.constant 0 : i32
      %dma_wait3A_363 = tpu.memref_slice %arg5[%dma_wait3A_362] : memref<320000xi32, #tpu.memory_space<hbm>> -> memref<80xi32, #tpu.memory_space<hbm>>
      tpu.wait_dma2 semaphore(%arg24 : memref<!tpu.dma_semaphore, #tpu.memory_space<semaphore_mem>>) src(%dma_wait3A_363 : memref<80xi32, #tpu.memory_space<hbm>>) dst(%arg14 : memref<80xi32, #tpu.memory_space<vmem>>)
      %get3A_364 = arith.constant 0 : index
      %get3A_365 = tpu.vector_load %arg12[%get3A_364] {strides = array<i32>} : memref<96xi32, #tpu.memory_space<vmem>>, vector<16xi32>,
      %get3A_366 = arith.constant 1 : index
      %get3A_367 = tpu.vector_load %arg12[%get3A_366] {strides = array<i32>} : memref<96xi32, #tpu.memory_space<vmem>>, vector<16xi32>,
      %get3A_368 = arith.constant 0 : index
      %get3A_369 = tpu.vector_load %arg14[%get3A_368] {strides = array<i32>} : memref<80xi32, #tpu.memory_space<vmem>>, vector<16xi32>,
      %swap3A_370 = arith.constant 0 : index
      %swap3A_371 = tpu.vector_load %arg16[%swap3A_370] {strides = array<i32>} : memref<80xi32, #tpu.memory_space<vmem>>, vector<16xi32>,
      tpu.vector_store %arg16[%swap3A_370], %get3A_365 {strides = array<i32>} : memref<80xi32, #tpu.memory_space<vmem>>, vector<16xi32>,
      %gather3A_372 = tpu.vector_load_idx %arg8[%get3A_365] : memref<10008xi32, #tpu.memory_space<vmem>>[vector<16xi32>], vector<16xi32>,
      %gather3A_373 = tpu.vector_load_idx %arg8[%get3A_369] : memref<10008xi32, #tpu.memory_space<vmem>>[vector<16xi32>], vector<16xi32>,
      %and3A_374 = arith.constant -65536 : i32
      %and3A_375 = vector.broadcast %and3A_374 : i32 to vector<16xi32>
      %and3A_376 = arith.andi %gather3A_372, %and3A_375 : vector<16xi32>
      %bitcast3A_377 = vector.bitcast %and3A_376 : vector<16xi32> to vector<16xf32>
      %shift_left3A_378 = arith.constant 16 : i32
      %shift_left3A_379 = vector.broadcast %shift_left3A_378 : i32 to vector<16xi32>
      %shift_left3A_380 = arith.shli %gather3A_373, %shift_left3A_379 : vector<16xi32>
      %bitcast3A_381 = vector.bitcast %shift_left3A_380 : vector<16xi32> to vector<16xf32>
      %add3A_382 = arith.addf %bitcast3A_377, %bitcast3A_381 : vector<16xf32>
      %ge3A_383 = arith.constant 0.000000e+00 : f32
      %ge3A_384 = vector.broadcast %ge3A_383 : f32 to vector<16xf32>
      %ge3A_385 = arith.cmpf oge, %add3A_382, %ge3A_384 : vector<16xf32>
      %mul3A_386 = arith.constant 2.000000e-01 : f32
      %mul3A_387 = vector.broadcast %mul3A_386 : f32 to vector<16xf32>
      %mul3A_388 = arith.mulf %mul3A_387, %add3A_382 : vector<16xf32>
      %select_n3A_389 = arith.select %ge3A_385, %add3A_382, %mul3A_388 : vector<16xi1>, vector<16xf32>
      %exp3A_390 = math.exp %select_n3A_389 : vector<16xf32>
      %swap3A_391 = arith.constant 0 : index
      %swap3A_392 = tpu.vector_load %arg10[%swap3A_391] {strides = array<i32>} : memref<96xf32, #tpu.memory_space<vmem>>, vector<16xf32>,
      tpu.vector_store %arg10[%swap3A_391], %exp3A_390 {strides = array<i32>} : memref<96xf32, #tpu.memory_space<vmem>>, vector<16xf32>,
      %broadcast_in_dim3A_393 = arith.constant true
      %broadcast_in_dim3A_394 = vector.broadcast %broadcast_in_dim3A_393 : i1 to vector<16xi1>
      %masked_cumsum3A_395 = tpu.scan <sum>, %exp3A_390 masked %broadcast_in_dim3A_394 : vector<16xf32>, vector<16xi1> -> vector<16xf32>
      %ne3A_396 = arith.cmpi ne, %get3A_365, %get3A_367 : vector<16xi32>
      %eq3A_397 = arith.constant 15 : i32
      %eq3A_398 = vector.broadcast %eq3A_397 : i32 to vector<16xi32>
      %eq3A_399 = arith.cmpi eq, %iota3A, %eq3A_398 : vector<16xi32>
      %or3A_400 = arith.ori %ne3A_396, %eq3A_399 : vector<16xi1>
      %shift_right_logical3A_401 = arith.constant 7 : i32
      %shift_right_logical3A_402 = vector.broadcast %shift_right_logical3A_401 : i32 to vector<16xi32>
      %shift_right_logical3A_403 = arith.shrui %get3A_365, %shift_right_logical3A_402 : vector<16xi32>
      %and3A_404 = arith.constant 127 : i32
      %and3A_405 = vector.broadcast %and3A_404 : i32 to vector<16xi32>
      %and3A_406 = arith.andi %get3A_365, %and3A_405 : vector<16xi32>
      tpu.vector_store_idx %arg18[%shift_right_logical3A_403, %and3A_406], %masked_cumsum3A_395 masked %or3A_400 {add = true} : memref<80x128xf32, #tpu.memory_space<vmem>>[vector<16xi32>, vector<16xi32>], vector<16xf32>, vector<16xi1>
      %ne3A_407 = arith.constant 15 : i32
      %ne3A_408 = vector.broadcast %ne3A_407 : i32 to vector<16xi32>
      %ne3A_409 = arith.cmpi ne, %iota3A, %ne3A_408 : vector<16xi32>
      %and3A_410 = arith.andi %or3A_400, %ne3A_409 : vector<16xi1>
      %shift_right_logical3A_411 = arith.constant 7 : i32
      %shift_right_logical3A_412 = vector.broadcast %shift_right_logical3A_411 : i32 to vector<16xi32>
      %shift_right_logical3A_413 = arith.shrui %get3A_367, %shift_right_logical3A_412 : vector<16xi32>
      %and3A_414 = arith.constant 127 : i32
      %and3A_415 = vector.broadcast %and3A_414 : i32 to vector<16xi32>
      %and3A_416 = arith.andi %get3A_367, %and3A_415 : vector<16xi32>
      %neg3A_417 = arith.constant 0.000000e+00 : f32
      %neg3A_418 = vector.broadcast %neg3A_417 : f32 to vector<16xf32>
      %neg3A_419 = arith.subf %neg3A_418, %masked_cumsum3A_395 : vector<16xf32>
      tpu.vector_store_idx %arg18[%shift_right_logical3A_413, %and3A_416], %neg3A_419 masked %and3A_410 {add = true} : memref<80x128xf32, #tpu.memory_space<vmem>>[vector<16xi32>, vector<16xi32>], vector<16xf32>, vector<16xi1>
      %get3A_420 = arith.constant 16 : index
      %get3A_421 = tpu.vector_load %arg12[%get3A_420] {strides = array<i32>} : memref<96xi32, #tpu.memory_space<vmem>>, vector<16xi32>,
      %get3A_422 = arith.constant 17 : index
      %get3A_423 = tpu.vector_load %arg12[%get3A_422] {strides = array<i32>} : memref<96xi32, #tpu.memory_space<vmem>>, vector<16xi32>,
      %get3A_424 = arith.constant 16 : index
      %get3A_425 = tpu.vector_load %arg14[%get3A_424] {strides = array<i32>} : memref<80xi32, #tpu.memory_space<vmem>>, vector<16xi32>,
      %swap3A_426 = arith.constant 16 : index
      %swap3A_427 = tpu.vector_load %arg16[%swap3A_426] {strides = array<i32>} : memref<80xi32, #tpu.memory_space<vmem>>, vector<16xi32>,
      tpu.vector_store %arg16[%swap3A_426], %get3A_421 {strides = array<i32>} : memref<80xi32, #tpu.memory_space<vmem>>, vector<16xi32>,
      %gather3A_428 = tpu.vector_load_idx %arg8[%get3A_421] : memref<10008xi32, #tpu.memory_space<vmem>>[vector<16xi32>], vector<16xi32>,
      %gather3A_429 = tpu.vector_load_idx %arg8[%get3A_425] : memref<10008xi32, #tpu.memory_space<vmem>>[vector<16xi32>], vector<16xi32>,
      %and3A_430 = arith.constant -65536 : i32
      %and3A_431 = vector.broadcast %and3A_430 : i32 to vector<16xi32>
      %and3A_432 = arith.andi %gather3A_428, %and3A_431 : vector<16xi32>
      %bitcast3A_433 = vector.bitcast %and3A_432 : vector<16xi32> to vector<16xf32>
      %shift_left3A_434 = arith.constant 16 : i32
      %shift_left3A_435 = vector.broadcast %shift_left3A_434 : i32 to vector<16xi32>
      %shift_left3A_436 = arith.shli %gather3A_429, %shift_left3A_435 : vector<16xi32>
      %bitcast3A_437 = vector.bitcast %shift_left3A_436 : vector<16xi32> to vector<16xf32>
      %add3A_438 = arith.addf %bitcast3A_433, %bitcast3A_437 : vector<16xf32>
      %ge3A_439 = arith.constant 0.000000e+00 : f32
      %ge3A_440 = vector.broadcast %ge3A_439 : f32 to vector<16xf32>
      %ge3A_441 = arith.cmpf oge, %add3A_438, %ge3A_440 : vector<16xf32>
      %mul3A_442 = arith.constant 2.000000e-01 : f32
      %mul3A_443 = vector.broadcast %mul3A_442 : f32 to vector<16xf32>
      %mul3A_444 = arith.mulf %mul3A_443, %add3A_438 : vector<16xf32>
      %select_n3A_445 = arith.select %ge3A_441, %add3A_438, %mul3A_444 : vector<16xi1>, vector<16xf32>
      %exp3A_446 = math.exp %select_n3A_445 : vector<16xf32>
      %swap3A_447 = arith.constant 16 : index
      %swap3A_448 = tpu.vector_load %arg10[%swap3A_447] {strides = array<i32>} : memref<96xf32, #tpu.memory_space<vmem>>, vector<16xf32>,
      tpu.vector_store %arg10[%swap3A_447], %exp3A_446 {strides = array<i32>} : memref<96xf32, #tpu.memory_space<vmem>>, vector<16xf32>,
      %broadcast_in_dim3A_449 = arith.constant true
      %broadcast_in_dim3A_450 = vector.broadcast %broadcast_in_dim3A_449 : i1 to vector<16xi1>
      %masked_cumsum3A_451 = tpu.scan <sum>, %exp3A_446 masked %broadcast_in_dim3A_450 : vector<16xf32>, vector<16xi1> -> vector<16xf32>
      %ne3A_452 = arith.cmpi ne, %get3A_421, %get3A_423 : vector<16xi32>
      %eq3A_453 = arith.constant 15 : i32
      %eq3A_454 = vector.broadcast %eq3A_453 : i32 to vector<16xi32>
      %eq3A_455 = arith.cmpi eq, %iota3A, %eq3A_454 : vector<16xi32>
      %or3A_456 = arith.ori %ne3A_452, %eq3A_455 : vector<16xi1>
      %shift_right_logical3A_457 = arith.constant 7 : i32
      %shift_right_logical3A_458 = vector.broadcast %shift_right_logical3A_457 : i32 to vector<16xi32>
      %shift_right_logical3A_459 = arith.shrui %get3A_421, %shift_right_logical3A_458 : vector<16xi32>
      %and3A_460 = arith.constant 127 : i32
      %and3A_461 = vector.broadcast %and3A_460 : i32 to vector<16xi32>
      %and3A_462 = arith.andi %get3A_421, %and3A_461 : vector<16xi32>
      tpu.vector_store_idx %arg18[%shift_right_logical3A_459, %and3A_462], %masked_cumsum3A_451 masked %or3A_456 {add = true} : memref<80x128xf32, #tpu.memory_space<vmem>>[vector<16xi32>, vector<16xi32>], vector<16xf32>, vector<16xi1>
      %ne3A_463 = arith.constant 15 : i32
      %ne3A_464 = vector.broadcast %ne3A_463 : i32 to vector<16xi32>
      %ne3A_465 = arith.cmpi ne, %iota3A, %ne3A_464 : vector<16xi32>
      %and3A_466 = arith.andi %or3A_456, %ne3A_465 : vector<16xi1>
      %shift_right_logical3A_467 = arith.constant 7 : i32
      %shift_right_logical3A_468 = vector.broadcast %shift_right_logical3A_467 : i32 to vector<16xi32>
      %shift_right_logical3A_469 = arith.shrui %get3A_423, %shift_right_logical3A_468 : vector<16xi32>
      %and3A_470 = arith.constant 127 : i32
      %and3A_471 = vector.broadcast %and3A_470 : i32 to vector<16xi32>
      %and3A_472 = arith.andi %get3A_423, %and3A_471 : vector<16xi32>
      %neg3A_473 = arith.constant 0.000000e+00 : f32
      %neg3A_474 = vector.broadcast %neg3A_473 : f32 to vector<16xf32>
      %neg3A_475 = arith.subf %neg3A_474, %masked_cumsum3A_451 : vector<16xf32>
      tpu.vector_store_idx %arg18[%shift_right_logical3A_469, %and3A_472], %neg3A_475 masked %and3A_466 {add = true} : memref<80x128xf32, #tpu.memory_space<vmem>>[vector<16xi32>, vector<16xi32>], vector<16xf32>, vector<16xi1>
      %get3A_476 = arith.constant 32 : index
      %get3A_477 = tpu.vector_load %arg12[%get3A_476] {strides = array<i32>} : memref<96xi32, #tpu.memory_space<vmem>>, vector<16xi32>,
      %get3A_478 = arith.constant 33 : index
      %get3A_479 = tpu.vector_load %arg12[%get3A_478] {strides = array<i32>} : memref<96xi32, #tpu.memory_space<vmem>>, vector<16xi32>,
      %get3A_480 = arith.constant 32 : index
      %get3A_481 = tpu.vector_load %arg14[%get3A_480] {strides = array<i32>} : memref<80xi32, #tpu.memory_space<vmem>>, vector<16xi32>,
      %swap3A_482 = arith.constant 32 : index
      %swap3A_483 = tpu.vector_load %arg16[%swap3A_482] {strides = array<i32>} : memref<80xi32, #tpu.memory_space<vmem>>, vector<16xi32>,
      tpu.vector_store %arg16[%swap3A_482], %get3A_477 {strides = array<i32>} : memref<80xi32, #tpu.memory_space<vmem>>, vector<16xi32>,
      %gather3A_484 = tpu.vector_load_idx %arg8[%get3A_477] : memref<10008xi32, #tpu.memory_space<vmem>>[vector<16xi32>], vector<16xi32>,
      %gather3A_485 = tpu.vector_load_idx %arg8[%get3A_481] : memref<10008xi32, #tpu.memory_space<vmem>>[vector<16xi32>], vector<16xi32>,
      %and3A_486 = arith.constant -65536 : i32
      %and3A_487 = vector.broadcast %and3A_486 : i32 to vector<16xi32>
      %and3A_488 = arith.andi %gather3A_484, %and3A_487 : vector<16xi32>
      %bitcast3A_489 = vector.bitcast %and3A_488 : vector<16xi32> to vector<16xf32>
      %shift_left3A_490 = arith.constant 16 : i32
      %shift_left3A_491 = vector.broadcast %shift_left3A_490 : i32 to vector<16xi32>
      %shift_left3A_492 = arith.shli %gather3A_485, %shift_left3A_491 : vector<16xi32>
      %bitcast3A_493 = vector.bitcast %shift_left3A_492 : vector<16xi32> to vector<16xf32>
      %add3A_494 = arith.addf %bitcast3A_489, %bitcast3A_493 : vector<16xf32>
      %ge3A_495 = arith.constant 0.000000e+00 : f32
      %ge3A_496 = vector.broadcast %ge3A_495 : f32 to vector<16xf32>
      %ge3A_497 = arith.cmpf oge, %add3A_494, %ge3A_496 : vector<16xf32>
      %mul3A_498 = arith.constant 2.000000e-01 : f32
      %mul3A_499 = vector.broadcast %mul3A_498 : f32 to vector<16xf32>
      %mul3A_500 = arith.mulf %mul3A_499, %add3A_494 : vector<16xf32>
      %select_n3A_501 = arith.select %ge3A_497, %add3A_494, %mul3A_500 : vector<16xi1>, vector<16xf32>
      %exp3A_502 = math.exp %select_n3A_501 : vector<16xf32>
      %swap3A_503 = arith.constant 32 : index
      %swap3A_504 = tpu.vector_load %arg10[%swap3A_503] {strides = array<i32>} : memref<96xf32, #tpu.memory_space<vmem>>, vector<16xf32>,
      tpu.vector_store %arg10[%swap3A_503], %exp3A_502 {strides = array<i32>} : memref<96xf32, #tpu.memory_space<vmem>>, vector<16xf32>,
      %broadcast_in_dim3A_505 = arith.constant true
      %broadcast_in_dim3A_506 = vector.broadcast %broadcast_in_dim3A_505 : i1 to vector<16xi1>
      %masked_cumsum3A_507 = tpu.scan <sum>, %exp3A_502 masked %broadcast_in_dim3A_506 : vector<16xf32>, vector<16xi1> -> vector<16xf32>
      %ne3A_508 = arith.cmpi ne, %get3A_477, %get3A_479 : vector<16xi32>
      %eq3A_509 = arith.constant 15 : i32
      %eq3A_510 = vector.broadcast %eq3A_509 : i32 to vector<16xi32>
      %eq3A_511 = arith.cmpi eq, %iota3A, %eq3A_510 : vector<16xi32>
      %or3A_512 = arith.ori %ne3A_508, %eq3A_511 : vector<16xi1>
      %shift_right_logical3A_513 = arith.constant 7 : i32
      %shift_right_logical3A_514 = vector.broadcast %shift_right_logical3A_513 : i32 to vector<16xi32>
      %shift_right_logical3A_515 = arith.shrui %get3A_477, %shift_right_logical3A_514 : vector<16xi32>
      %and3A_516 = arith.constant 127 : i32
      %and3A_517 = vector.broadcast %and3A_516 : i32 to vector<16xi32>
      %and3A_518 = arith.andi %get3A_477, %and3A_517 : vector<16xi32>
      tpu.vector_store_idx %arg18[%shift_right_logical3A_515, %and3A_518], %masked_cumsum3A_507 masked %or3A_512 {add = true} : memref<80x128xf32, #tpu.memory_space<vmem>>[vector<16xi32>, vector<16xi32>], vector<16xf32>, vector<16xi1>
      %ne3A_519 = arith.constant 15 : i32
      %ne3A_520 = vector.broadcast %ne3A_519 : i32 to vector<16xi32>
      %ne3A_521 = arith.cmpi ne, %iota3A, %ne3A_520 : vector<16xi32>
      %and3A_522 = arith.andi %or3A_512, %ne3A_521 : vector<16xi1>
      %shift_right_logical3A_523 = arith.constant 7 : i32
      %shift_right_logical3A_524 = vector.broadcast %shift_right_logical3A_523 : i32 to vector<16xi32>
      %shift_right_logical3A_525 = arith.shrui %get3A_479, %shift_right_logical3A_524 : vector<16xi32>
      %and3A_526 = arith.constant 127 : i32
      %and3A_527 = vector.broadcast %and3A_526 : i32 to vector<16xi32>
      %and3A_528 = arith.andi %get3A_479, %and3A_527 : vector<16xi32>
      %neg3A_529 = arith.constant 0.000000e+00 : f32
      %neg3A_530 = vector.broadcast %neg3A_529 : f32 to vector<16xf32>
      %neg3A_531 = arith.subf %neg3A_530, %masked_cumsum3A_507 : vector<16xf32>
      tpu.vector_store_idx %arg18[%shift_right_logical3A_525, %and3A_528], %neg3A_531 masked %and3A_522 {add = true} : memref<80x128xf32, #tpu.memory_space<vmem>>[vector<16xi32>, vector<16xi32>], vector<16xf32>, vector<16xi1>
      %get3A_532 = arith.constant 48 : index
      %get3A_533 = tpu.vector_load %arg12[%get3A_532] {strides = array<i32>} : memref<96xi32, #tpu.memory_space<vmem>>, vector<16xi32>,
      %get3A_534 = arith.constant 49 : index
      %get3A_535 = tpu.vector_load %arg12[%get3A_534] {strides = array<i32>} : memref<96xi32, #tpu.memory_space<vmem>>, vector<16xi32>,
      %get3A_536 = arith.constant 48 : index
      %get3A_537 = tpu.vector_load %arg14[%get3A_536] {strides = array<i32>} : memref<80xi32, #tpu.memory_space<vmem>>, vector<16xi32>,
      %swap3A_538 = arith.constant 48 : index
      %swap3A_539 = tpu.vector_load %arg16[%swap3A_538] {strides = array<i32>} : memref<80xi32, #tpu.memory_space<vmem>>, vector<16xi32>,
      tpu.vector_store %arg16[%swap3A_538], %get3A_533 {strides = array<i32>} : memref<80xi32, #tpu.memory_space<vmem>>, vector<16xi32>,
      %gather3A_540 = tpu.vector_load_idx %arg8[%get3A_533] : memref<10008xi32, #tpu.memory_space<vmem>>[vector<16xi32>], vector<16xi32>,
      %gather3A_541 = tpu.vector_load_idx %arg8[%get3A_537] : memref<10008xi32, #tpu.memory_space<vmem>>[vector<16xi32>], vector<16xi32>,
      %and3A_542 = arith.constant -65536 : i32
      %and3A_543 = vector.broadcast %and3A_542 : i32 to vector<16xi32>
      %and3A_544 = arith.andi %gather3A_540, %and3A_543 : vector<16xi32>
      %bitcast3A_545 = vector.bitcast %and3A_544 : vector<16xi32> to vector<16xf32>
      %shift_left3A_546 = arith.constant 16 : i32
      %shift_left3A_547 = vector.broadcast %shift_left3A_546 : i32 to vector<16xi32>
      %shift_left3A_548 = arith.shli %gather3A_541, %shift_left3A_547 : vector<16xi32>
      %bitcast3A_549 = vector.bitcast %shift_left3A_548 : vector<16xi32> to vector<16xf32>
      %add3A_550 = arith.addf %bitcast3A_545, %bitcast3A_549 : vector<16xf32>
      %ge3A_551 = arith.constant 0.000000e+00 : f32
      %ge3A_552 = vector.broadcast %ge3A_551 : f32 to vector<16xf32>
      %ge3A_553 = arith.cmpf oge, %add3A_550, %ge3A_552 : vector<16xf32>
      %mul3A_554 = arith.constant 2.000000e-01 : f32
      %mul3A_555 = vector.broadcast %mul3A_554 : f32 to vector<16xf32>
      %mul3A_556 = arith.mulf %mul3A_555, %add3A_550 : vector<16xf32>
      %select_n3A_557 = arith.select %ge3A_553, %add3A_550, %mul3A_556 : vector<16xi1>, vector<16xf32>
      %exp3A_558 = math.exp %select_n3A_557 : vector<16xf32>
      %swap3A_559 = arith.constant 48 : index
      %swap3A_560 = tpu.vector_load %arg10[%swap3A_559] {strides = array<i32>} : memref<96xf32, #tpu.memory_space<vmem>>, vector<16xf32>,
      tpu.vector_store %arg10[%swap3A_559], %exp3A_558 {strides = array<i32>} : memref<96xf32, #tpu.memory_space<vmem>>, vector<16xf32>,
      %broadcast_in_dim3A_561 = arith.constant true
      %broadcast_in_dim3A_562 = vector.broadcast %broadcast_in_dim3A_561 : i1 to vector<16xi1>
      %masked_cumsum3A_563 = tpu.scan <sum>, %exp3A_558 masked %broadcast_in_dim3A_562 : vector<16xf32>, vector<16xi1> -> vector<16xf32>
      %ne3A_564 = arith.cmpi ne, %get3A_533, %get3A_535 : vector<16xi32>
      %eq3A_565 = arith.constant 15 : i32
      %eq3A_566 = vector.broadcast %eq3A_565 : i32 to vector<16xi32>
      %eq3A_567 = arith.cmpi eq, %iota3A, %eq3A_566 : vector<16xi32>
      %or3A_568 = arith.ori %ne3A_564, %eq3A_567 : vector<16xi1>
      %shift_right_logical3A_569 = arith.constant 7 : i32
      %shift_right_logical3A_570 = vector.broadcast %shift_right_logical3A_569 : i32 to vector<16xi32>
      %shift_right_logical3A_571 = arith.shrui %get3A_533, %shift_right_logical3A_570 : vector<16xi32>
      %and3A_572 = arith.constant 127 : i32
      %and3A_573 = vector.broadcast %and3A_572 : i32 to vector<16xi32>
      %and3A_574 = arith.andi %get3A_533, %and3A_573 : vector<16xi32>
      tpu.vector_store_idx %arg18[%shift_right_logical3A_571, %and3A_574], %masked_cumsum3A_563 masked %or3A_568 {add = true} : memref<80x128xf32, #tpu.memory_space<vmem>>[vector<16xi32>, vector<16xi32>], vector<16xf32>, vector<16xi1>
      %ne3A_575 = arith.constant 15 : i32
      %ne3A_576 = vector.broadcast %ne3A_575 : i32 to vector<16xi32>
      %ne3A_577 = arith.cmpi ne, %iota3A, %ne3A_576 : vector<16xi32>
      %and3A_578 = arith.andi %or3A_568, %ne3A_577 : vector<16xi1>
      %shift_right_logical3A_579 = arith.constant 7 : i32
      %shift_right_logical3A_580 = vector.broadcast %shift_right_logical3A_579 : i32 to vector<16xi32>
      %shift_right_logical3A_581 = arith.shrui %get3A_535, %shift_right_logical3A_580 : vector<16xi32>
      %and3A_582 = arith.constant 127 : i32
      %and3A_583 = vector.broadcast %and3A_582 : i32 to vector<16xi32>
      %and3A_584 = arith.andi %get3A_535, %and3A_583 : vector<16xi32>
      %neg3A_585 = arith.constant 0.000000e+00 : f32
      %neg3A_586 = vector.broadcast %neg3A_585 : f32 to vector<16xf32>
      %neg3A_587 = arith.subf %neg3A_586, %masked_cumsum3A_563 : vector<16xf32>
      tpu.vector_store_idx %arg18[%shift_right_logical3A_581, %and3A_584], %neg3A_587 masked %and3A_578 {add = true} : memref<80x128xf32, #tpu.memory_space<vmem>>[vector<16xi32>, vector<16xi32>], vector<16xf32>, vector<16xi1>
      %get3A_588 = arith.constant 64 : index
      %get3A_589 = tpu.vector_load %arg12[%get3A_588] {strides = array<i32>} : memref<96xi32, #tpu.memory_space<vmem>>, vector<16xi32>,
      %get3A_590 = arith.constant 65 : index
      %get3A_591 = tpu.vector_load %arg12[%get3A_590] {strides = array<i32>} : memref<96xi32, #tpu.memory_space<vmem>>, vector<16xi32>,
      %get3A_592 = arith.constant 64 : index
      %get3A_593 = tpu.vector_load %arg14[%get3A_592] {strides = array<i32>} : memref<80xi32, #tpu.memory_space<vmem>>, vector<16xi32>,
      %swap3A_594 = arith.constant 64 : index
      %swap3A_595 = tpu.vector_load %arg16[%swap3A_594] {strides = array<i32>} : memref<80xi32, #tpu.memory_space<vmem>>, vector<16xi32>,
      tpu.vector_store %arg16[%swap3A_594], %get3A_589 {strides = array<i32>} : memref<80xi32, #tpu.memory_space<vmem>>, vector<16xi32>,
      %gather3A_596 = tpu.vector_load_idx %arg8[%get3A_589] : memref<10008xi32, #tpu.memory_space<vmem>>[vector<16xi32>], vector<16xi32>,
      %gather3A_597 = tpu.vector_load_idx %arg8[%get3A_593] : memref<10008xi32, #tpu.memory_space<vmem>>[vector<16xi32>], vector<16xi32>,
      %and3A_598 = arith.constant -65536 : i32
      %and3A_599 = vector.broadcast %and3A_598 : i32 to vector<16xi32>
      %and3A_600 = arith.andi %gather3A_596, %and3A_599 : vector<16xi32>
      %bitcast3A_601 = vector.bitcast %and3A_600 : vector<16xi32> to vector<16xf32>
      %shift_left3A_602 = arith.constant 16 : i32
      %shift_left3A_603 = vector.broadcast %shift_left3A_602 : i32 to vector<16xi32>
      %shift_left3A_604 = arith.shli %gather3A_597, %shift_left3A_603 : vector<16xi32>
      %bitcast3A_605 = vector.bitcast %shift_left3A_604 : vector<16xi32> to vector<16xf32>
      %add3A_606 = arith.addf %bitcast3A_601, %bitcast3A_605 : vector<16xf32>
      %ge3A_607 = arith.constant 0.000000e+00 : f32
      %ge3A_608 = vector.broadcast %ge3A_607 : f32 to vector<16xf32>
      %ge3A_609 = arith.cmpf oge, %add3A_606, %ge3A_608 : vector<16xf32>
      %mul3A_610 = arith.constant 2.000000e-01 : f32
      %mul3A_611 = vector.broadcast %mul3A_610 : f32 to vector<16xf32>
      %mul3A_612 = arith.mulf %mul3A_611, %add3A_606 : vector<16xf32>
      %select_n3A_613 = arith.select %ge3A_609, %add3A_606, %mul3A_612 : vector<16xi1>, vector<16xf32>
      %exp3A_614 = math.exp %select_n3A_613 : vector<16xf32>
      %swap3A_615 = arith.constant 64 : index
      %swap3A_616 = tpu.vector_load %arg10[%swap3A_615] {strides = array<i32>} : memref<96xf32, #tpu.memory_space<vmem>>, vector<16xf32>,
      tpu.vector_store %arg10[%swap3A_615], %exp3A_614 {strides = array<i32>} : memref<96xf32, #tpu.memory_space<vmem>>, vector<16xf32>,
      %broadcast_in_dim3A_617 = arith.constant true
      %broadcast_in_dim3A_618 = vector.broadcast %broadcast_in_dim3A_617 : i1 to vector<16xi1>
      %masked_cumsum3A_619 = tpu.scan <sum>, %exp3A_614 masked %broadcast_in_dim3A_618 : vector<16xf32>, vector<16xi1> -> vector<16xf32>
      %ne3A_620 = arith.cmpi ne, %get3A_589, %get3A_591 : vector<16xi32>
      %eq3A_621 = arith.constant 15 : i32
      %eq3A_622 = vector.broadcast %eq3A_621 : i32 to vector<16xi32>
      %eq3A_623 = arith.cmpi eq, %iota3A, %eq3A_622 : vector<16xi32>
      %or3A_624 = arith.ori %ne3A_620, %eq3A_623 : vector<16xi1>
      %shift_right_logical3A_625 = arith.constant 7 : i32
      %shift_right_logical3A_626 = vector.broadcast %shift_right_logical3A_625 : i32 to vector<16xi32>
      %shift_right_logical3A_627 = arith.shrui %get3A_589, %shift_right_logical3A_626 : vector<16xi32>
      %and3A_628 = arith.constant 127 : i32
      %and3A_629 = vector.broadcast %and3A_628 : i32 to vector<16xi32>
      %and3A_630 = arith.andi %get3A_589, %and3A_629 : vector<16xi32>
      tpu.vector_store_idx %arg18[%shift_right_logical3A_627, %and3A_630], %masked_cumsum3A_619 masked %or3A_624 {add = true} : memref<80x128xf32, #tpu.memory_space<vmem>>[vector<16xi32>, vector<16xi32>], vector<16xf32>, vector<16xi1>
      %ne3A_631 = arith.constant 15 : i32
      %ne3A_632 = vector.broadcast %ne3A_631 : i32 to vector<16xi32>
      %ne3A_633 = arith.cmpi ne, %iota3A, %ne3A_632 : vector<16xi32>
      %and3A_634 = arith.andi %or3A_624, %ne3A_633 : vector<16xi1>
      %shift_right_logical3A_635 = arith.constant 7 : i32
      %shift_right_logical3A_636 = vector.broadcast %shift_right_logical3A_635 : i32 to vector<16xi32>
      %shift_right_logical3A_637 = arith.shrui %get3A_591, %shift_right_logical3A_636 : vector<16xi32>
      %and3A_638 = arith.constant 127 : i32
      %and3A_639 = vector.broadcast %and3A_638 : i32 to vector<16xi32>
      %and3A_640 = arith.andi %get3A_591, %and3A_639 : vector<16xi32>
      %neg3A_641 = arith.constant 0.000000e+00 : f32
      %neg3A_642 = vector.broadcast %neg3A_641 : f32 to vector<16xf32>
      %neg3A_643 = arith.subf %neg3A_642, %masked_cumsum3A_619 : vector<16xf32>
      tpu.vector_store_idx %arg18[%shift_right_logical3A_637, %and3A_640], %neg3A_643 masked %and3A_634 {add = true} : memref<80x128xf32, #tpu.memory_space<vmem>>[vector<16xi32>, vector<16xi32>], vector<16xf32>, vector<16xi1>
      %dma_start3A_644 = arith.constant 0 : i32
      %dma_start3A_645 = arith.constant 0 : i32
      %dma_start3A_646 = tpu.memref_slice %arg2[%dma_start3A_644, %dma_start3A_645] : memref<10008x128xf32, #tpu.memory_space<hbm>> -> memref<10008x128xf32, #tpu.memory_space<hbm>>
      tpu.enqueue_indirect_dma source(%dma_start3A_646 : memref<10008x128xf32, #tpu.memory_space<hbm>>) target(%arg20 : memref<80x128xf32, #tpu.memory_space<vmem>>) offsets(%arg14 : memref<80xi32, #tpu.memory_space<vmem>>) semaphore(%arg26 : memref<!tpu.dma_semaphore, #tpu.memory_space<semaphore_mem>>)
      %add3A_647 = arith.constant 3 : i32
      %add3A_648 = arith.addi %mul3A_348, %add3A_647 : i32
      %lt3A_649 = arith.constant 250 : i32
      %lt3A_650 = arith.cmpi slt, %add3A_648, %lt3A_649 : i32
      %convert_element_type3A_651 = arith.extui %lt3A_650 : i1 to i32
      %cond3A_652 = arith.constant 0 : i32
      %cond3A_653 = arith.cmpi ne, %convert_element_type3A_651, %cond3A_652 : i32
      scf.if %cond3A_653 {
        %add3A_685 = arith.constant 3 : i32
        %add3A_686 = arith.addi %mul3A_348, %add3A_685 : i32
        %mul3A_687 = arith.constant 80 : i32
        %mul3A_688 = arith.muli %add3A_686, %mul3A_687 : i32
        %add3A_689 = arith.addi %mul3A_2, %mul3A_688 : i32
        %dma_start3A_690 = tpu.memref_slice %arg4[%add3A_689] : memref<320016xi32, #tpu.memory_space<hbm>> -> memref<96xi32, #tpu.memory_space<hbm>>
        %dma_start3A_691 = tpu.memref_slice %arg4[%add3A_689] : memref<320016xi32, #tpu.memory_space<hbm>> -> memref<96xi32, #tpu.memory_space<hbm>>
        tpu.enqueue_dma source(%dma_start3A_691 : memref<96xi32, #tpu.memory_space<hbm>>) target(%arg12 : memref<96xi32, #tpu.memory_space<vmem>>) target_semaphore(%arg24 : memref<!tpu.dma_semaphore, #tpu.memory_space<semaphore_mem>>)
        %mul3A_692 = arith.constant 80 : i32
        %mul3A_693 = arith.muli %add3A_686, %mul3A_692 : i32
        %add3A_694 = arith.addi %mul3A_2, %mul3A_693 : i32
        %dma_start3A_695 = tpu.memref_slice %arg5[%add3A_694] : memref<320000xi32, #tpu.memory_space<hbm>> -> memref<80xi32, #tpu.memory_space<hbm>>
        %dma_start3A_696 = tpu.memref_slice %arg5[%add3A_694] : memref<320000xi32, #tpu.memory_space<hbm>> -> memref<80xi32, #tpu.memory_space<hbm>>
        tpu.enqueue_dma source(%dma_start3A_696 : memref<80xi32, #tpu.memory_space<hbm>>) target(%arg14 : memref<80xi32, #tpu.memory_space<vmem>>) target_semaphore(%arg24 : memref<!tpu.dma_semaphore, #tpu.memory_space<semaphore_mem>>)
      } else {
      }
      %dma_wait3A_654 = arith.constant 0 : i32
      %dma_wait3A_655 = arith.constant 0 : i32
      %dma_wait3A_656 = tpu.memref_slice %arg2[%dma_wait3A_654, %dma_wait3A_655] : memref<10008x128xf32, #tpu.memory_space<hbm>> -> memref<80x128xf32, #tpu.memory_space<hbm>>
      %dma_wait3A_657 = arith.constant 0 : i32
      %dma_wait3A_658 = arith.constant 0 : i32
      %dma_wait3A_659 = tpu.memref_slice %arg2[%dma_wait3A_657, %dma_wait3A_658] : memref<10008x128xf32, #tpu.memory_space<hbm>> -> memref<80x128xf32, #tpu.memory_space<hbm>>
      tpu.wait_dma2 semaphore(%arg25 : memref<!tpu.dma_semaphore, #tpu.memory_space<semaphore_mem>>) src(%dma_wait3A_659 : memref<80x128xf32, #tpu.memory_space<hbm>>) dst(%arg19 : memref<80x128xf32, #tpu.memory_space<vmem>>)
      %scan3A_660 = arith.constant 0 : i32
      %scan3A_661 = arith.constant 0 : i32
      %scan3A_662 = arith.constant 80 : i32
      %scan3A_663 = arith.addi %scan3A_661, %scan3A_662 : i32
      %scan3A_664 = arith.constant 1 : i32
      scf.for %scan3A_685 = %scan3A_661 to %scan3A_663 step %scan3A_664  : i32 {
        %get3A_686 = arith.index_cast %scan3A_685 : i32 to index
        %get3A_687 = tpu.vector_load %arg9[%get3A_686] {strides = array<i32>} : memref<96xf32, #tpu.memory_space<vmem>>, vector<16xf32>,
        %slice3A = vector.extract_strided_slice %get3A_687 {offsets = [0], sizes = [1], strides = [1]} : vector<16xf32> to vector<1xf32>
        %squeeze3A = vector.extract %slice3A[0] : f32 from vector<1xf32>
        %get3A_688 = arith.index_cast %scan3A_685 : i32 to index
        %get3A_689 = arith.constant 0 : index
        %get3A_690 = tpu.vector_load %arg19[%get3A_688, %get3A_689] {strides = array<i32>} : memref<80x128xf32, #tpu.memory_space<vmem>>, vector<16xf32>,
        %mul3A_691 = vector.broadcast %squeeze3A : f32 to vector<16xf32>
        %mul3A_692 = arith.mulf %get3A_690, %mul3A_691 : vector<16xf32>
        %swap3A_693 = arith.index_cast %scan3A_685 : i32 to index
        %swap3A_694 = arith.constant 0 : index
        %swap3A_695 = tpu.vector_load %arg19[%swap3A_693, %swap3A_694] {strides = array<i32>} : memref<80x128xf32, #tpu.memory_space<vmem>>, vector<16xf32>,
        tpu.vector_store %arg19[%swap3A_693, %swap3A_694], %mul3A_692 {strides = array<i32>} : memref<80x128xf32, #tpu.memory_space<vmem>>, vector<16xf32>,
        %get3A_696 = arith.index_cast %scan3A_685 : i32 to index
        %get3A_697 = arith.constant 16 : index
        %get3A_698 = tpu.vector_load %arg19[%get3A_696, %get3A_697] {strides = array<i32>} : memref<80x128xf32, #tpu.memory_space<vmem>>, vector<16xf32>,
        %mul3A_699 = vector.broadcast %squeeze3A : f32 to vector<16xf32>
        %mul3A_700 = arith.mulf %get3A_698, %mul3A_699 : vector<16xf32>
        %swap3A_701 = arith.index_cast %scan3A_685 : i32 to index
        %swap3A_702 = arith.constant 16 : index
        %swap3A_703 = tpu.vector_load %arg19[%swap3A_701, %swap3A_702] {strides = array<i32>} : memref<80x128xf32, #tpu.memory_space<vmem>>, vector<16xf32>,
        tpu.vector_store %arg19[%swap3A_701, %swap3A_702], %mul3A_700 {strides = array<i32>} : memref<80x128xf32, #tpu.memory_space<vmem>>, vector<16xf32>,
        %get3A_704 = arith.index_cast %scan3A_685 : i32 to index
        %get3A_705 = arith.constant 32 : index
        %get3A_706 = tpu.vector_load %arg19[%get3A_704, %get3A_705] {strides = array<i32>} : memref<80x128xf32, #tpu.memory_space<vmem>>, vector<16xf32>,
        %mul3A_707 = vector.broadcast %squeeze3A : f32 to vector<16xf32>
        %mul3A_708 = arith.mulf %get3A_706, %mul3A_707 : vector<16xf32>
        %swap3A_709 = arith.index_cast %scan3A_685 : i32 to index
        %swap3A_710 = arith.constant 32 : index
        %swap3A_711 = tpu.vector_load %arg19[%swap3A_709, %swap3A_710] {strides = array<i32>} : memref<80x128xf32, #tpu.memory_space<vmem>>, vector<16xf32>,
        tpu.vector_store %arg19[%swap3A_709, %swap3A_710], %mul3A_708 {strides = array<i32>} : memref<80x128xf32, #tpu.memory_space<vmem>>, vector<16xf32>,
        %get3A_712 = arith.index_cast %scan3A_685 : i32 to index
        %get3A_713 = arith.constant 48 : index
        %get3A_714 = tpu.vector_load %arg19[%get3A_712, %get3A_713] {strides = array<i32>} : memref<80x128xf32, #tpu.memory_space<vmem>>, vector<16xf32>,
        %mul3A_715 = vector.broadcast %squeeze3A : f32 to vector<16xf32>
        %mul3A_716 = arith.mulf %get3A_714, %mul3A_715 : vector<16xf32>
        %swap3A_717 = arith.index_cast %scan3A_685 : i32 to index
        %swap3A_718 = arith.constant 48 : index
        %swap3A_719 = tpu.vector_load %arg19[%swap3A_717, %swap3A_718] {strides = array<i32>} : memref<80x128xf32, #tpu.memory_space<vmem>>, vector<16xf32>,
        tpu.vector_store %arg19[%swap3A_717, %swap3A_718], %mul3A_716 {strides = array<i32>} : memref<80x128xf32, #tpu.memory_space<vmem>>, vector<16xf32>,
        %get3A_720 = arith.index_cast %scan3A_685 : i32 to index
        %get3A_721 = arith.constant 64 : index
        %get3A_722 = tpu.vector_load %arg19[%get3A_720, %get3A_721] {strides = array<i32>} : memref<80x128xf32, #tpu.memory_space<vmem>>, vector<16xf32>,
        %mul3A_723 = vector.broadcast %squeeze3A : f32 to vector<16xf32>
        %mul3A_724 = arith.mulf %get3A_722, %mul3A_723 : vector<16xf32>
        %swap3A_725 = arith.index_cast %scan3A_685 : i32 to index
        %swap3A_726 = arith.constant 64 : index
        %swap3A_727 = tpu.vector_load %arg19[%swap3A_725, %swap3A_726] {strides = array<i32>} : memref<80x128xf32, #tpu.memory_space<vmem>>, vector<16xf32>,
        tpu.vector_store %arg19[%swap3A_725, %swap3A_726], %mul3A_724 {strides = array<i32>} : memref<80x128xf32, #tpu.memory_space<vmem>>, vector<16xf32>,
        %get3A_728 = arith.index_cast %scan3A_685 : i32 to index
        %get3A_729 = arith.constant 80 : index
        %get3A_730 = tpu.vector_load %arg19[%get3A_728, %get3A_729] {strides = array<i32>} : memref<80x128xf32, #tpu.memory_space<vmem>>, vector<16xf32>,
        %mul3A_731 = vector.broadcast %squeeze3A : f32 to vector<16xf32>
        %mul3A_732 = arith.mulf %get3A_730, %mul3A_731 : vector<16xf32>
        %swap3A_733 = arith.index_cast %scan3A_685 : i32 to index
        %swap3A_734 = arith.constant 80 : index
        %swap3A_735 = tpu.vector_load %arg19[%swap3A_733, %swap3A_734] {strides = array<i32>} : memref<80x128xf32, #tpu.memory_space<vmem>>, vector<16xf32>,
        tpu.vector_store %arg19[%swap3A_733, %swap3A_734], %mul3A_732 {strides = array<i32>} : memref<80x128xf32, #tpu.memory_space<vmem>>, vector<16xf32>,
        %get3A_736 = arith.index_cast %scan3A_685 : i32 to index
        %get3A_737 = arith.constant 96 : index
        %get3A_738 = tpu.vector_load %arg19[%get3A_736, %get3A_737] {strides = array<i32>} : memref<80x128xf32, #tpu.memory_space<vmem>>, vector<16xf32>,
        %mul3A_739 = vector.broadcast %squeeze3A : f32 to vector<16xf32>
        %mul3A_740 = arith.mulf %get3A_738, %mul3A_739 : vector<16xf32>
        %swap3A_741 = arith.index_cast %scan3A_685 : i32 to index
        %swap3A_742 = arith.constant 96 : index
        %swap3A_743 = tpu.vector_load %arg19[%swap3A_741, %swap3A_742] {strides = array<i32>} : memref<80x128xf32, #tpu.memory_space<vmem>>, vector<16xf32>,
        tpu.vector_store %arg19[%swap3A_741, %swap3A_742], %mul3A_740 {strides = array<i32>} : memref<80x128xf32, #tpu.memory_space<vmem>>, vector<16xf32>,
        %get3A_744 = arith.index_cast %scan3A_685 : i32 to index
        %get3A_745 = arith.constant 112 : index
        %get3A_746 = tpu.vector_load %arg19[%get3A_744, %get3A_745] {strides = array<i32>} : memref<80x128xf32, #tpu.memory_space<vmem>>, vector<16xf32>,
        %mul3A_747 = vector.broadcast %squeeze3A : f32 to vector<16xf32>
        %mul3A_748 = arith.mulf %get3A_746, %mul3A_747 : vector<16xf32>
        %swap3A_749 = arith.index_cast %scan3A_685 : i32 to index
        %swap3A_750 = arith.constant 112 : index
        %swap3A_751 = tpu.vector_load %arg19[%swap3A_749, %swap3A_750] {strides = array<i32>} : memref<80x128xf32, #tpu.memory_space<vmem>>, vector<16xf32>,
        tpu.vector_store %arg19[%swap3A_749, %swap3A_750], %mul3A_748 {strides = array<i32>} : memref<80x128xf32, #tpu.memory_space<vmem>>, vector<16xf32>,
      }
      %scan3A_665 = arith.constant 80 : i32
      "tpu.region"() ({
        %run_scoped3A = tpu.sem_alloc : memref<!tpu.dma_semaphore, #tpu.memory_space<semaphore_mem>>
        %dma_start3A_685 = arith.constant 0 : i32
        %dma_start3A_686 = arith.constant 0 : i32
        %dma_start3A_687 = tpu.memref_slice %arg21[%dma_start3A_685, %dma_start3A_686] : memref<10240x128xf32, #tpu.memory_space<vmem_shared>> -> memref<10240x128xf32, #tpu.memory_space<vmem_shared>>
        tpu.enqueue_indirect_dma source(%arg19 : memref<80x128xf32, #tpu.memory_space<vmem>>) target(%dma_start3A_687 : memref<10240x128xf32, #tpu.memory_space<vmem_shared>>) offsets(%arg15 : memref<80xi32, #tpu.memory_space<vmem>>) semaphore(%run_scoped3A : memref<!tpu.dma_semaphore, #tpu.memory_space<semaphore_mem>>) {add = true}
        %dma_wait3A_688 = arith.constant 0 : i32
        %dma_wait3A_689 = arith.constant 0 : i32
        %dma_wait3A_690 = tpu.memref_slice %arg21[%dma_wait3A_688, %dma_wait3A_689] : memref<10240x128xf32, #tpu.memory_space<vmem_shared>> -> memref<10240x128xf32, #tpu.memory_space<vmem_shared>>
        tpu.wait_indirect_dma semaphore(%run_scoped3A : memref<!tpu.dma_semaphore, #tpu.memory_space<semaphore_mem>>) src(%arg19 : memref<80x128xf32, #tpu.memory_space<vmem>>) dst(%dma_wait3A_690 : memref<10240x128xf32, #tpu.memory_space<vmem_shared>>)
        tpu.yield
      }) : () -> ()
      %add3A_666 = arith.constant 2 : i32
      %add3A_667 = arith.addi %mul3A_348, %add3A_666 : i32
      %lt3A_668 = arith.constant 250 : i32
      %lt3A_669 = arith.cmpi slt, %add3A_667, %lt3A_668 : i32
      %convert_element_type3A_670 = arith.extui %lt3A_669 : i1 to i32
      %cond3A_671 = arith.constant 0 : i32
      %cond3A_672 = arith.cmpi ne, %convert_element_type3A_670, %cond3A_671 : i32
      scf.if %cond3A_672 {
        %dma_wait3A_685 = arith.constant 0 : i32
        %dma_wait3A_686 = tpu.memref_slice %arg4[%dma_wait3A_685] : memref<320016xi32, #tpu.memory_space<hbm>> -> memref<96xi32, #tpu.memory_space<hbm>>
        %dma_wait3A_687 = arith.constant 0 : i32
        %dma_wait3A_688 = tpu.memref_slice %arg4[%dma_wait3A_687] : memref<320016xi32, #tpu.memory_space<hbm>> -> memref<96xi32, #tpu.memory_space<hbm>>
        tpu.wait_dma2 semaphore(%arg23 : memref<!tpu.dma_semaphore, #tpu.memory_space<semaphore_mem>>) src(%dma_wait3A_688 : memref<96xi32, #tpu.memory_space<hbm>>) dst(%arg11 : memref<96xi32, #tpu.memory_space<vmem>>)
        %dma_wait3A_689 = arith.constant 0 : i32
        %dma_wait3A_690 = tpu.memref_slice %arg5[%dma_wait3A_689] : memref<320000xi32, #tpu.memory_space<hbm>> -> memref<80xi32, #tpu.memory_space<hbm>>
        %dma_wait3A_691 = arith.constant 0 : i32
        %dma_wait3A_692 = tpu.memref_slice %arg5[%dma_wait3A_691] : memref<320000xi32, #tpu.memory_space<hbm>> -> memref<80xi32, #tpu.memory_space<hbm>>
        tpu.wait_dma2 semaphore(%arg23 : memref<!tpu.dma_semaphore, #tpu.memory_space<semaphore_mem>>) src(%dma_wait3A_692 : memref<80xi32, #tpu.memory_space<hbm>>) dst(%arg13 : memref<80xi32, #tpu.memory_space<vmem>>)
        %get3A_693 = arith.constant 0 : index
        %get3A_694 = tpu.vector_load %arg11[%get3A_693] {strides = array<i32>} : memref<96xi32, #tpu.memory_space<vmem>>, vector<16xi32>,
        %get3A_695 = arith.constant 1 : index
        %get3A_696 = tpu.vector_load %arg11[%get3A_695] {strides = array<i32>} : memref<96xi32, #tpu.memory_space<vmem>>, vector<16xi32>,
        %get3A_697 = arith.constant 0 : index
        %get3A_698 = tpu.vector_load %arg13[%get3A_697] {strides = array<i32>} : memref<80xi32, #tpu.memory_space<vmem>>, vector<16xi32>,
        %swap3A_699 = arith.constant 0 : index
        %swap3A_700 = tpu.vector_load %arg15[%swap3A_699] {strides = array<i32>} : memref<80xi32, #tpu.memory_space<vmem>>, vector<16xi32>,
        tpu.vector_store %arg15[%swap3A_699], %get3A_694 {strides = array<i32>} : memref<80xi32, #tpu.memory_space<vmem>>, vector<16xi32>,
        %gather3A_701 = tpu.vector_load_idx %arg8[%get3A_694] : memref<10008xi32, #tpu.memory_space<vmem>>[vector<16xi32>], vector<16xi32>,
        %gather3A_702 = tpu.vector_load_idx %arg8[%get3A_698] : memref<10008xi32, #tpu.memory_space<vmem>>[vector<16xi32>], vector<16xi32>,
        %and3A_703 = arith.constant -65536 : i32
        %and3A_704 = vector.broadcast %and3A_703 : i32 to vector<16xi32>
        %and3A_705 = arith.andi %gather3A_701, %and3A_704 : vector<16xi32>
        %bitcast3A_706 = vector.bitcast %and3A_705 : vector<16xi32> to vector<16xf32>
        %shift_left3A_707 = arith.constant 16 : i32
        %shift_left3A_708 = vector.broadcast %shift_left3A_707 : i32 to vector<16xi32>
        %shift_left3A_709 = arith.shli %gather3A_702, %shift_left3A_708 : vector<16xi32>
        %bitcast3A_710 = vector.bitcast %shift_left3A_709 : vector<16xi32> to vector<16xf32>
        %add3A_711 = arith.addf %bitcast3A_706, %bitcast3A_710 : vector<16xf32>
        %ge3A_712 = arith.constant 0.000000e+00 : f32
        %ge3A_713 = vector.broadcast %ge3A_712 : f32 to vector<16xf32>
        %ge3A_714 = arith.cmpf oge, %add3A_711, %ge3A_713 : vector<16xf32>
        %mul3A_715 = arith.constant 2.000000e-01 : f32
        %mul3A_716 = vector.broadcast %mul3A_715 : f32 to vector<16xf32>
        %mul3A_717 = arith.mulf %mul3A_716, %add3A_711 : vector<16xf32>
        %select_n3A_718 = arith.select %ge3A_714, %add3A_711, %mul3A_717 : vector<16xi1>, vector<16xf32>
        %exp3A_719 = math.exp %select_n3A_718 : vector<16xf32>
        %swap3A_720 = arith.constant 0 : index
        %swap3A_721 = tpu.vector_load %arg9[%swap3A_720] {strides = array<i32>} : memref<96xf32, #tpu.memory_space<vmem>>, vector<16xf32>,
        tpu.vector_store %arg9[%swap3A_720], %exp3A_719 {strides = array<i32>} : memref<96xf32, #tpu.memory_space<vmem>>, vector<16xf32>,
        %broadcast_in_dim3A_722 = arith.constant true
        %broadcast_in_dim3A_723 = vector.broadcast %broadcast_in_dim3A_722 : i1 to vector<16xi1>
        %masked_cumsum3A_724 = tpu.scan <sum>, %exp3A_719 masked %broadcast_in_dim3A_723 : vector<16xf32>, vector<16xi1> -> vector<16xf32>
        %ne3A_725 = arith.cmpi ne, %get3A_694, %get3A_696 : vector<16xi32>
        %eq3A_726 = arith.constant 15 : i32
        %eq3A_727 = vector.broadcast %eq3A_726 : i32 to vector<16xi32>
        %eq3A_728 = arith.cmpi eq, %iota3A, %eq3A_727 : vector<16xi32>
        %or3A_729 = arith.ori %ne3A_725, %eq3A_728 : vector<16xi1>
        %shift_right_logical3A_730 = arith.constant 7 : i32
        %shift_right_logical3A_731 = vector.broadcast %shift_right_logical3A_730 : i32 to vector<16xi32>
        %shift_right_logical3A_732 = arith.shrui %get3A_694, %shift_right_logical3A_731 : vector<16xi32>
        %and3A_733 = arith.constant 127 : i32
        %and3A_734 = vector.broadcast %and3A_733 : i32 to vector<16xi32>
        %and3A_735 = arith.andi %get3A_694, %and3A_734 : vector<16xi32>
        tpu.vector_store_idx %arg18[%shift_right_logical3A_732, %and3A_735], %masked_cumsum3A_724 masked %or3A_729 {add = true} : memref<80x128xf32, #tpu.memory_space<vmem>>[vector<16xi32>, vector<16xi32>], vector<16xf32>, vector<16xi1>
        %ne3A_736 = arith.constant 15 : i32
        %ne3A_737 = vector.broadcast %ne3A_736 : i32 to vector<16xi32>
        %ne3A_738 = arith.cmpi ne, %iota3A, %ne3A_737 : vector<16xi32>
        %and3A_739 = arith.andi %or3A_729, %ne3A_738 : vector<16xi1>
        %shift_right_logical3A_740 = arith.constant 7 : i32
        %shift_right_logical3A_741 = vector.broadcast %shift_right_logical3A_740 : i32 to vector<16xi32>
        %shift_right_logical3A_742 = arith.shrui %get3A_696, %shift_right_logical3A_741 : vector<16xi32>
        %and3A_743 = arith.constant 127 : i32
        %and3A_744 = vector.broadcast %and3A_743 : i32 to vector<16xi32>
        %and3A_745 = arith.andi %get3A_696, %and3A_744 : vector<16xi32>
        %neg3A_746 = arith.constant 0.000000e+00 : f32
        %neg3A_747 = vector.broadcast %neg3A_746 : f32 to vector<16xf32>
        %neg3A_748 = arith.subf %neg3A_747, %masked_cumsum3A_724 : vector<16xf32>
        tpu.vector_store_idx %arg18[%shift_right_logical3A_742, %and3A_745], %neg3A_748 masked %and3A_739 {add = true} : memref<80x128xf32, #tpu.memory_space<vmem>>[vector<16xi32>, vector<16xi32>], vector<16xf32>, vector<16xi1>
        %get3A_749 = arith.constant 16 : index
        %get3A_750 = tpu.vector_load %arg11[%get3A_749] {strides = array<i32>} : memref<96xi32, #tpu.memory_space<vmem>>, vector<16xi32>,
        %get3A_751 = arith.constant 17 : index
        %get3A_752 = tpu.vector_load %arg11[%get3A_751] {strides = array<i32>} : memref<96xi32, #tpu.memory_space<vmem>>, vector<16xi32>,
        %get3A_753 = arith.constant 16 : index
        %get3A_754 = tpu.vector_load %arg13[%get3A_753] {strides = array<i32>} : memref<80xi32, #tpu.memory_space<vmem>>, vector<16xi32>,
        %swap3A_755 = arith.constant 16 : index
        %swap3A_756 = tpu.vector_load %arg15[%swap3A_755] {strides = array<i32>} : memref<80xi32, #tpu.memory_space<vmem>>, vector<16xi32>,
        tpu.vector_store %arg15[%swap3A_755], %get3A_750 {strides = array<i32>} : memref<80xi32, #tpu.memory_space<vmem>>, vector<16xi32>,
        %gather3A_757 = tpu.vector_load_idx %arg8[%get3A_750] : memref<10008xi32, #tpu.memory_space<vmem>>[vector<16xi32>], vector<16xi32>,
        %gather3A_758 = tpu.vector_load_idx %arg8[%get3A_754] : memref<10008xi32, #tpu.memory_space<vmem>>[vector<16xi32>], vector<16xi32>,
        %and3A_759 = arith.constant -65536 : i32
        %and3A_760 = vector.broadcast %and3A_759 : i32 to vector<16xi32>
        %and3A_761 = arith.andi %gather3A_757, %and3A_760 : vector<16xi32>
        %bitcast3A_762 = vector.bitcast %and3A_761 : vector<16xi32> to vector<16xf32>
        %shift_left3A_763 = arith.constant 16 : i32
        %shift_left3A_764 = vector.broadcast %shift_left3A_763 : i32 to vector<16xi32>
        %shift_left3A_765 = arith.shli %gather3A_758, %shift_left3A_764 : vector<16xi32>
        %bitcast3A_766 = vector.bitcast %shift_left3A_765 : vector<16xi32> to vector<16xf32>
        %add3A_767 = arith.addf %bitcast3A_762, %bitcast3A_766 : vector<16xf32>
        %ge3A_768 = arith.constant 0.000000e+00 : f32
        %ge3A_769 = vector.broadcast %ge3A_768 : f32 to vector<16xf32>
        %ge3A_770 = arith.cmpf oge, %add3A_767, %ge3A_769 : vector<16xf32>
        %mul3A_771 = arith.constant 2.000000e-01 : f32
        %mul3A_772 = vector.broadcast %mul3A_771 : f32 to vector<16xf32>
        %mul3A_773 = arith.mulf %mul3A_772, %add3A_767 : vector<16xf32>
        %select_n3A_774 = arith.select %ge3A_770, %add3A_767, %mul3A_773 : vector<16xi1>, vector<16xf32>
        %exp3A_775 = math.exp %select_n3A_774 : vector<16xf32>
        %swap3A_776 = arith.constant 16 : index
        %swap3A_777 = tpu.vector_load %arg9[%swap3A_776] {strides = array<i32>} : memref<96xf32, #tpu.memory_space<vmem>>, vector<16xf32>,
        tpu.vector_store %arg9[%swap3A_776], %exp3A_775 {strides = array<i32>} : memref<96xf32, #tpu.memory_space<vmem>>, vector<16xf32>,
        %broadcast_in_dim3A_778 = arith.constant true
        %broadcast_in_dim3A_779 = vector.broadcast %broadcast_in_dim3A_778 : i1 to vector<16xi1>
        %masked_cumsum3A_780 = tpu.scan <sum>, %exp3A_775 masked %broadcast_in_dim3A_779 : vector<16xf32>, vector<16xi1> -> vector<16xf32>
        %ne3A_781 = arith.cmpi ne, %get3A_750, %get3A_752 : vector<16xi32>
        %eq3A_782 = arith.constant 15 : i32
        %eq3A_783 = vector.broadcast %eq3A_782 : i32 to vector<16xi32>
        %eq3A_784 = arith.cmpi eq, %iota3A, %eq3A_783 : vector<16xi32>
        %or3A_785 = arith.ori %ne3A_781, %eq3A_784 : vector<16xi1>
        %shift_right_logical3A_786 = arith.constant 7 : i32
        %shift_right_logical3A_787 = vector.broadcast %shift_right_logical3A_786 : i32 to vector<16xi32>
        %shift_right_logical3A_788 = arith.shrui %get3A_750, %shift_right_logical3A_787 : vector<16xi32>
        %and3A_789 = arith.constant 127 : i32
        %and3A_790 = vector.broadcast %and3A_789 : i32 to vector<16xi32>
        %and3A_791 = arith.andi %get3A_750, %and3A_790 : vector<16xi32>
        tpu.vector_store_idx %arg18[%shift_right_logical3A_788, %and3A_791], %masked_cumsum3A_780 masked %or3A_785 {add = true} : memref<80x128xf32, #tpu.memory_space<vmem>>[vector<16xi32>, vector<16xi32>], vector<16xf32>, vector<16xi1>
        %ne3A_792 = arith.constant 15 : i32
        %ne3A_793 = vector.broadcast %ne3A_792 : i32 to vector<16xi32>
        %ne3A_794 = arith.cmpi ne, %iota3A, %ne3A_793 : vector<16xi32>
        %and3A_795 = arith.andi %or3A_785, %ne3A_794 : vector<16xi1>
        %shift_right_logical3A_796 = arith.constant 7 : i32
        %shift_right_logical3A_797 = vector.broadcast %shift_right_logical3A_796 : i32 to vector<16xi32>
        %shift_right_logical3A_798 = arith.shrui %get3A_752, %shift_right_logical3A_797 : vector<16xi32>
        %and3A_799 = arith.constant 127 : i32
        %and3A_800 = vector.broadcast %and3A_799 : i32 to vector<16xi32>
        %and3A_801 = arith.andi %get3A_752, %and3A_800 : vector<16xi32>
        %neg3A_802 = arith.constant 0.000000e+00 : f32
        %neg3A_803 = vector.broadcast %neg3A_802 : f32 to vector<16xf32>
        %neg3A_804 = arith.subf %neg3A_803, %masked_cumsum3A_780 : vector<16xf32>
        tpu.vector_store_idx %arg18[%shift_right_logical3A_798, %and3A_801], %neg3A_804 masked %and3A_795 {add = true} : memref<80x128xf32, #tpu.memory_space<vmem>>[vector<16xi32>, vector<16xi32>], vector<16xf32>, vector<16xi1>
        %get3A_805 = arith.constant 32 : index
        %get3A_806 = tpu.vector_load %arg11[%get3A_805] {strides = array<i32>} : memref<96xi32, #tpu.memory_space<vmem>>, vector<16xi32>,
        %get3A_807 = arith.constant 33 : index
        %get3A_808 = tpu.vector_load %arg11[%get3A_807] {strides = array<i32>} : memref<96xi32, #tpu.memory_space<vmem>>, vector<16xi32>,
        %get3A_809 = arith.constant 32 : index
        %get3A_810 = tpu.vector_load %arg13[%get3A_809] {strides = array<i32>} : memref<80xi32, #tpu.memory_space<vmem>>, vector<16xi32>,
        %swap3A_811 = arith.constant 32 : index
        %swap3A_812 = tpu.vector_load %arg15[%swap3A_811] {strides = array<i32>} : memref<80xi32, #tpu.memory_space<vmem>>, vector<16xi32>,
        tpu.vector_store %arg15[%swap3A_811], %get3A_806 {strides = array<i32>} : memref<80xi32, #tpu.memory_space<vmem>>, vector<16xi32>,
        %gather3A_813 = tpu.vector_load_idx %arg8[%get3A_806] : memref<10008xi32, #tpu.memory_space<vmem>>[vector<16xi32>], vector<16xi32>,
        %gather3A_814 = tpu.vector_load_idx %arg8[%get3A_810] : memref<10008xi32, #tpu.memory_space<vmem>>[vector<16xi32>], vector<16xi32>,
        %and3A_815 = arith.constant -65536 : i32
        %and3A_816 = vector.broadcast %and3A_815 : i32 to vector<16xi32>
        %and3A_817 = arith.andi %gather3A_813, %and3A_816 : vector<16xi32>
        %bitcast3A_818 = vector.bitcast %and3A_817 : vector<16xi32> to vector<16xf32>
        %shift_left3A_819 = arith.constant 16 : i32
        %shift_left3A_820 = vector.broadcast %shift_left3A_819 : i32 to vector<16xi32>
        %shift_left3A_821 = arith.shli %gather3A_814, %shift_left3A_820 : vector<16xi32>
        %bitcast3A_822 = vector.bitcast %shift_left3A_821 : vector<16xi32> to vector<16xf32>
        %add3A_823 = arith.addf %bitcast3A_818, %bitcast3A_822 : vector<16xf32>
        %ge3A_824 = arith.constant 0.000000e+00 : f32
        %ge3A_825 = vector.broadcast %ge3A_824 : f32 to vector<16xf32>
        %ge3A_826 = arith.cmpf oge, %add3A_823, %ge3A_825 : vector<16xf32>
        %mul3A_827 = arith.constant 2.000000e-01 : f32
        %mul3A_828 = vector.broadcast %mul3A_827 : f32 to vector<16xf32>
        %mul3A_829 = arith.mulf %mul3A_828, %add3A_823 : vector<16xf32>
        %select_n3A_830 = arith.select %ge3A_826, %add3A_823, %mul3A_829 : vector<16xi1>, vector<16xf32>
        %exp3A_831 = math.exp %select_n3A_830 : vector<16xf32>
        %swap3A_832 = arith.constant 32 : index
        %swap3A_833 = tpu.vector_load %arg9[%swap3A_832] {strides = array<i32>} : memref<96xf32, #tpu.memory_space<vmem>>, vector<16xf32>,
        tpu.vector_store %arg9[%swap3A_832], %exp3A_831 {strides = array<i32>} : memref<96xf32, #tpu.memory_space<vmem>>, vector<16xf32>,
        %broadcast_in_dim3A_834 = arith.constant true
        %broadcast_in_dim3A_835 = vector.broadcast %broadcast_in_dim3A_834 : i1 to vector<16xi1>
        %masked_cumsum3A_836 = tpu.scan <sum>, %exp3A_831 masked %broadcast_in_dim3A_835 : vector<16xf32>, vector<16xi1> -> vector<16xf32>
        %ne3A_837 = arith.cmpi ne, %get3A_806, %get3A_808 : vector<16xi32>
        %eq3A_838 = arith.constant 15 : i32
        %eq3A_839 = vector.broadcast %eq3A_838 : i32 to vector<16xi32>
        %eq3A_840 = arith.cmpi eq, %iota3A, %eq3A_839 : vector<16xi32>
        %or3A_841 = arith.ori %ne3A_837, %eq3A_840 : vector<16xi1>
        %shift_right_logical3A_842 = arith.constant 7 : i32
        %shift_right_logical3A_843 = vector.broadcast %shift_right_logical3A_842 : i32 to vector<16xi32>
        %shift_right_logical3A_844 = arith.shrui %get3A_806, %shift_right_logical3A_843 : vector<16xi32>
        %and3A_845 = arith.constant 127 : i32
        %and3A_846 = vector.broadcast %and3A_845 : i32 to vector<16xi32>
        %and3A_847 = arith.andi %get3A_806, %and3A_846 : vector<16xi32>
        tpu.vector_store_idx %arg18[%shift_right_logical3A_844, %and3A_847], %masked_cumsum3A_836 masked %or3A_841 {add = true} : memref<80x128xf32, #tpu.memory_space<vmem>>[vector<16xi32>, vector<16xi32>], vector<16xf32>, vector<16xi1>
        %ne3A_848 = arith.constant 15 : i32
        %ne3A_849 = vector.broadcast %ne3A_848 : i32 to vector<16xi32>
        %ne3A_850 = arith.cmpi ne, %iota3A, %ne3A_849 : vector<16xi32>
        %and3A_851 = arith.andi %or3A_841, %ne3A_850 : vector<16xi1>
        %shift_right_logical3A_852 = arith.constant 7 : i32
        %shift_right_logical3A_853 = vector.broadcast %shift_right_logical3A_852 : i32 to vector<16xi32>
        %shift_right_logical3A_854 = arith.shrui %get3A_808, %shift_right_logical3A_853 : vector<16xi32>
        %and3A_855 = arith.constant 127 : i32
        %and3A_856 = vector.broadcast %and3A_855 : i32 to vector<16xi32>
        %and3A_857 = arith.andi %get3A_808, %and3A_856 : vector<16xi32>
        %neg3A_858 = arith.constant 0.000000e+00 : f32
        %neg3A_859 = vector.broadcast %neg3A_858 : f32 to vector<16xf32>
        %neg3A_860 = arith.subf %neg3A_859, %masked_cumsum3A_836 : vector<16xf32>
        tpu.vector_store_idx %arg18[%shift_right_logical3A_854, %and3A_857], %neg3A_860 masked %and3A_851 {add = true} : memref<80x128xf32, #tpu.memory_space<vmem>>[vector<16xi32>, vector<16xi32>], vector<16xf32>, vector<16xi1>
        %get3A_861 = arith.constant 48 : index
        %get3A_862 = tpu.vector_load %arg11[%get3A_861] {strides = array<i32>} : memref<96xi32, #tpu.memory_space<vmem>>, vector<16xi32>,
        %get3A_863 = arith.constant 49 : index
        %get3A_864 = tpu.vector_load %arg11[%get3A_863] {strides = array<i32>} : memref<96xi32, #tpu.memory_space<vmem>>, vector<16xi32>,
        %get3A_865 = arith.constant 48 : index
        %get3A_866 = tpu.vector_load %arg13[%get3A_865] {strides = array<i32>} : memref<80xi32, #tpu.memory_space<vmem>>, vector<16xi32>,
        %swap3A_867 = arith.constant 48 : index
        %swap3A_868 = tpu.vector_load %arg15[%swap3A_867] {strides = array<i32>} : memref<80xi32, #tpu.memory_space<vmem>>, vector<16xi32>,
        tpu.vector_store %arg15[%swap3A_867], %get3A_862 {strides = array<i32>} : memref<80xi32, #tpu.memory_space<vmem>>, vector<16xi32>,
        %gather3A_869 = tpu.vector_load_idx %arg8[%get3A_862] : memref<10008xi32, #tpu.memory_space<vmem>>[vector<16xi32>], vector<16xi32>,
        %gather3A_870 = tpu.vector_load_idx %arg8[%get3A_866] : memref<10008xi32, #tpu.memory_space<vmem>>[vector<16xi32>], vector<16xi32>,
        %and3A_871 = arith.constant -65536 : i32
        %and3A_872 = vector.broadcast %and3A_871 : i32 to vector<16xi32>
        %and3A_873 = arith.andi %gather3A_869, %and3A_872 : vector<16xi32>
        %bitcast3A_874 = vector.bitcast %and3A_873 : vector<16xi32> to vector<16xf32>
        %shift_left3A_875 = arith.constant 16 : i32
        %shift_left3A_876 = vector.broadcast %shift_left3A_875 : i32 to vector<16xi32>
        %shift_left3A_877 = arith.shli %gather3A_870, %shift_left3A_876 : vector<16xi32>
        %bitcast3A_878 = vector.bitcast %shift_left3A_877 : vector<16xi32> to vector<16xf32>
        %add3A_879 = arith.addf %bitcast3A_874, %bitcast3A_878 : vector<16xf32>
        %ge3A_880 = arith.constant 0.000000e+00 : f32
        %ge3A_881 = vector.broadcast %ge3A_880 : f32 to vector<16xf32>
        %ge3A_882 = arith.cmpf oge, %add3A_879, %ge3A_881 : vector<16xf32>
        %mul3A_883 = arith.constant 2.000000e-01 : f32
        %mul3A_884 = vector.broadcast %mul3A_883 : f32 to vector<16xf32>
        %mul3A_885 = arith.mulf %mul3A_884, %add3A_879 : vector<16xf32>
        %select_n3A_886 = arith.select %ge3A_882, %add3A_879, %mul3A_885 : vector<16xi1>, vector<16xf32>
        %exp3A_887 = math.exp %select_n3A_886 : vector<16xf32>
        %swap3A_888 = arith.constant 48 : index
        %swap3A_889 = tpu.vector_load %arg9[%swap3A_888] {strides = array<i32>} : memref<96xf32, #tpu.memory_space<vmem>>, vector<16xf32>,
        tpu.vector_store %arg9[%swap3A_888], %exp3A_887 {strides = array<i32>} : memref<96xf32, #tpu.memory_space<vmem>>, vector<16xf32>,
        %broadcast_in_dim3A_890 = arith.constant true
        %broadcast_in_dim3A_891 = vector.broadcast %broadcast_in_dim3A_890 : i1 to vector<16xi1>
        %masked_cumsum3A_892 = tpu.scan <sum>, %exp3A_887 masked %broadcast_in_dim3A_891 : vector<16xf32>, vector<16xi1> -> vector<16xf32>
        %ne3A_893 = arith.cmpi ne, %get3A_862, %get3A_864 : vector<16xi32>
        %eq3A_894 = arith.constant 15 : i32
        %eq3A_895 = vector.broadcast %eq3A_894 : i32 to vector<16xi32>
        %eq3A_896 = arith.cmpi eq, %iota3A, %eq3A_895 : vector<16xi32>
        %or3A_897 = arith.ori %ne3A_893, %eq3A_896 : vector<16xi1>
        %shift_right_logical3A_898 = arith.constant 7 : i32
        %shift_right_logical3A_899 = vector.broadcast %shift_right_logical3A_898 : i32 to vector<16xi32>
        %shift_right_logical3A_900 = arith.shrui %get3A_862, %shift_right_logical3A_899 : vector<16xi32>
        %and3A_901 = arith.constant 127 : i32
        %and3A_902 = vector.broadcast %and3A_901 : i32 to vector<16xi32>
        %and3A_903 = arith.andi %get3A_862, %and3A_902 : vector<16xi32>
        tpu.vector_store_idx %arg18[%shift_right_logical3A_900, %and3A_903], %masked_cumsum3A_892 masked %or3A_897 {add = true} : memref<80x128xf32, #tpu.memory_space<vmem>>[vector<16xi32>, vector<16xi32>], vector<16xf32>, vector<16xi1>
        %ne3A_904 = arith.constant 15 : i32
        %ne3A_905 = vector.broadcast %ne3A_904 : i32 to vector<16xi32>
        %ne3A_906 = arith.cmpi ne, %iota3A, %ne3A_905 : vector<16xi32>
        %and3A_907 = arith.andi %or3A_897, %ne3A_906 : vector<16xi1>
        %shift_right_logical3A_908 = arith.constant 7 : i32
        %shift_right_logical3A_909 = vector.broadcast %shift_right_logical3A_908 : i32 to vector<16xi32>
        %shift_right_logical3A_910 = arith.shrui %get3A_864, %shift_right_logical3A_909 : vector<16xi32>
        %and3A_911 = arith.constant 127 : i32
        %and3A_912 = vector.broadcast %and3A_911 : i32 to vector<16xi32>
        %and3A_913 = arith.andi %get3A_864, %and3A_912 : vector<16xi32>
        %neg3A_914 = arith.constant 0.000000e+00 : f32
        %neg3A_915 = vector.broadcast %neg3A_914 : f32 to vector<16xf32>
        %neg3A_916 = arith.subf %neg3A_915, %masked_cumsum3A_892 : vector<16xf32>
        tpu.vector_store_idx %arg18[%shift_right_logical3A_910, %and3A_913], %neg3A_916 masked %and3A_907 {add = true} : memref<80x128xf32, #tpu.memory_space<vmem>>[vector<16xi32>, vector<16xi32>], vector<16xf32>, vector<16xi1>
        %get3A_917 = arith.constant 64 : index
        %get3A_918 = tpu.vector_load %arg11[%get3A_917] {strides = array<i32>} : memref<96xi32, #tpu.memory_space<vmem>>, vector<16xi32>,
        %get3A_919 = arith.constant 65 : index
        %get3A_920 = tpu.vector_load %arg11[%get3A_919] {strides = array<i32>} : memref<96xi32, #tpu.memory_space<vmem>>, vector<16xi32>,
        %get3A_921 = arith.constant 64 : index
        %get3A_922 = tpu.vector_load %arg13[%get3A_921] {strides = array<i32>} : memref<80xi32, #tpu.memory_space<vmem>>, vector<16xi32>,
        %swap3A_923 = arith.constant 64 : index
        %swap3A_924 = tpu.vector_load %arg15[%swap3A_923] {strides = array<i32>} : memref<80xi32, #tpu.memory_space<vmem>>, vector<16xi32>,
        tpu.vector_store %arg15[%swap3A_923], %get3A_918 {strides = array<i32>} : memref<80xi32, #tpu.memory_space<vmem>>, vector<16xi32>,
        %gather3A_925 = tpu.vector_load_idx %arg8[%get3A_918] : memref<10008xi32, #tpu.memory_space<vmem>>[vector<16xi32>], vector<16xi32>,
        %gather3A_926 = tpu.vector_load_idx %arg8[%get3A_922] : memref<10008xi32, #tpu.memory_space<vmem>>[vector<16xi32>], vector<16xi32>,
        %and3A_927 = arith.constant -65536 : i32
        %and3A_928 = vector.broadcast %and3A_927 : i32 to vector<16xi32>
        %and3A_929 = arith.andi %gather3A_925, %and3A_928 : vector<16xi32>
        %bitcast3A_930 = vector.bitcast %and3A_929 : vector<16xi32> to vector<16xf32>
        %shift_left3A_931 = arith.constant 16 : i32
        %shift_left3A_932 = vector.broadcast %shift_left3A_931 : i32 to vector<16xi32>
        %shift_left3A_933 = arith.shli %gather3A_926, %shift_left3A_932 : vector<16xi32>
        %bitcast3A_934 = vector.bitcast %shift_left3A_933 : vector<16xi32> to vector<16xf32>
        %add3A_935 = arith.addf %bitcast3A_930, %bitcast3A_934 : vector<16xf32>
        %ge3A_936 = arith.constant 0.000000e+00 : f32
        %ge3A_937 = vector.broadcast %ge3A_936 : f32 to vector<16xf32>
        %ge3A_938 = arith.cmpf oge, %add3A_935, %ge3A_937 : vector<16xf32>
        %mul3A_939 = arith.constant 2.000000e-01 : f32
        %mul3A_940 = vector.broadcast %mul3A_939 : f32 to vector<16xf32>
        %mul3A_941 = arith.mulf %mul3A_940, %add3A_935 : vector<16xf32>
        %select_n3A_942 = arith.select %ge3A_938, %add3A_935, %mul3A_941 : vector<16xi1>, vector<16xf32>
        %exp3A_943 = math.exp %select_n3A_942 : vector<16xf32>
        %swap3A_944 = arith.constant 64 : index
        %swap3A_945 = tpu.vector_load %arg9[%swap3A_944] {strides = array<i32>} : memref<96xf32, #tpu.memory_space<vmem>>, vector<16xf32>,
        tpu.vector_store %arg9[%swap3A_944], %exp3A_943 {strides = array<i32>} : memref<96xf32, #tpu.memory_space<vmem>>, vector<16xf32>,
        %broadcast_in_dim3A_946 = arith.constant true
        %broadcast_in_dim3A_947 = vector.broadcast %broadcast_in_dim3A_946 : i1 to vector<16xi1>
        %masked_cumsum3A_948 = tpu.scan <sum>, %exp3A_943 masked %broadcast_in_dim3A_947 : vector<16xf32>, vector<16xi1> -> vector<16xf32>
        %ne3A_949 = arith.cmpi ne, %get3A_918, %get3A_920 : vector<16xi32>
        %eq3A_950 = arith.constant 15 : i32
        %eq3A_951 = vector.broadcast %eq3A_950 : i32 to vector<16xi32>
        %eq3A_952 = arith.cmpi eq, %iota3A, %eq3A_951 : vector<16xi32>
        %or3A_953 = arith.ori %ne3A_949, %eq3A_952 : vector<16xi1>
        %shift_right_logical3A_954 = arith.constant 7 : i32
        %shift_right_logical3A_955 = vector.broadcast %shift_right_logical3A_954 : i32 to vector<16xi32>
        %shift_right_logical3A_956 = arith.shrui %get3A_918, %shift_right_logical3A_955 : vector<16xi32>
        %and3A_957 = arith.constant 127 : i32
        %and3A_958 = vector.broadcast %and3A_957 : i32 to vector<16xi32>
        %and3A_959 = arith.andi %get3A_918, %and3A_958 : vector<16xi32>
        tpu.vector_store_idx %arg18[%shift_right_logical3A_956, %and3A_959], %masked_cumsum3A_948 masked %or3A_953 {add = true} : memref<80x128xf32, #tpu.memory_space<vmem>>[vector<16xi32>, vector<16xi32>], vector<16xf32>, vector<16xi1>
        %ne3A_960 = arith.constant 15 : i32
        %ne3A_961 = vector.broadcast %ne3A_960 : i32 to vector<16xi32>
        %ne3A_962 = arith.cmpi ne, %iota3A, %ne3A_961 : vector<16xi32>
        %and3A_963 = arith.andi %or3A_953, %ne3A_962 : vector<16xi1>
        %shift_right_logical3A_964 = arith.constant 7 : i32
        %shift_right_logical3A_965 = vector.broadcast %shift_right_logical3A_964 : i32 to vector<16xi32>
        %shift_right_logical3A_966 = arith.shrui %get3A_920, %shift_right_logical3A_965 : vector<16xi32>
        %and3A_967 = arith.constant 127 : i32
        %and3A_968 = vector.broadcast %and3A_967 : i32 to vector<16xi32>
        %and3A_969 = arith.andi %get3A_920, %and3A_968 : vector<16xi32>
        %neg3A_970 = arith.constant 0.000000e+00 : f32
        %neg3A_971 = vector.broadcast %neg3A_970 : f32 to vector<16xf32>
        %neg3A_972 = arith.subf %neg3A_971, %masked_cumsum3A_948 : vector<16xf32>
        tpu.vector_store_idx %arg18[%shift_right_logical3A_966, %and3A_969], %neg3A_972 masked %and3A_963 {add = true} : memref<80x128xf32, #tpu.memory_space<vmem>>[vector<16xi32>, vector<16xi32>], vector<16xf32>, vector<16xi1>
        %dma_start3A_973 = arith.constant 0 : i32
        %dma_start3A_974 = arith.constant 0 : i32
        %dma_start3A_975 = tpu.memref_slice %arg2[%dma_start3A_973, %dma_start3A_974] : memref<10008x128xf32, #tpu.memory_space<hbm>> -> memref<10008x128xf32, #tpu.memory_space<hbm>>
        tpu.enqueue_indirect_dma source(%dma_start3A_975 : memref<10008x128xf32, #tpu.memory_space<hbm>>) target(%arg19 : memref<80x128xf32, #tpu.memory_space<vmem>>) offsets(%arg13 : memref<80xi32, #tpu.memory_space<vmem>>) semaphore(%arg25 : memref<!tpu.dma_semaphore, #tpu.memory_space<semaphore_mem>>)
      } else {
      }
      %dma_wait3A_673 = arith.constant 0 : i32
      %dma_wait3A_674 = arith.constant 0 : i32
      %dma_wait3A_675 = tpu.memref_slice %arg2[%dma_wait3A_673, %dma_wait3A_674] : memref<10008x128xf32, #tpu.memory_space<hbm>> -> memref<80x128xf32, #tpu.memory_space<hbm>>
      %dma_wait3A_676 = arith.constant 0 : i32
      %dma_wait3A_677 = arith.constant 0 : i32
      %dma_wait3A_678 = tpu.memref_slice %arg2[%dma_wait3A_676, %dma_wait3A_677] : memref<10008x128xf32, #tpu.memory_space<hbm>> -> memref<80x128xf32, #tpu.memory_space<hbm>>
      tpu.wait_dma2 semaphore(%arg26 : memref<!tpu.dma_semaphore, #tpu.memory_space<semaphore_mem>>) src(%dma_wait3A_678 : memref<80x128xf32, #tpu.memory_space<hbm>>) dst(%arg20 : memref<80x128xf32, #tpu.memory_space<vmem>>)
      %scan3A_679 = arith.constant 0 : i32
      %scan3A_680 = arith.constant 0 : i32
      %scan3A_681 = arith.constant 80 : i32
      %scan3A_682 = arith.addi %scan3A_680, %scan3A_681 : i32
      %scan3A_683 = arith.constant 1 : i32
      scf.for %scan3A_685 = %scan3A_680 to %scan3A_682 step %scan3A_683  : i32 {
        %get3A_686 = arith.index_cast %scan3A_685 : i32 to index
        %get3A_687 = tpu.vector_load %arg10[%get3A_686] {strides = array<i32>} : memref<96xf32, #tpu.memory_space<vmem>>, vector<16xf32>,
        %slice3A = vector.extract_strided_slice %get3A_687 {offsets = [0], sizes = [1], strides = [1]} : vector<16xf32> to vector<1xf32>
        %squeeze3A = vector.extract %slice3A[0] : f32 from vector<1xf32>
        %get3A_688 = arith.index_cast %scan3A_685 : i32 to index
        %get3A_689 = arith.constant 0 : index
        %get3A_690 = tpu.vector_load %arg20[%get3A_688, %get3A_689] {strides = array<i32>} : memref<80x128xf32, #tpu.memory_space<vmem>>, vector<16xf32>,
        %mul3A_691 = vector.broadcast %squeeze3A : f32 to vector<16xf32>
        %mul3A_692 = arith.mulf %get3A_690, %mul3A_691 : vector<16xf32>
        %swap3A_693 = arith.index_cast %scan3A_685 : i32 to index
        %swap3A_694 = arith.constant 0 : index
        %swap3A_695 = tpu.vector_load %arg20[%swap3A_693, %swap3A_694] {strides = array<i32>} : memref<80x128xf32, #tpu.memory_space<vmem>>, vector<16xf32>,
        tpu.vector_store %arg20[%swap3A_693, %swap3A_694], %mul3A_692 {strides = array<i32>} : memref<80x128xf32, #tpu.memory_space<vmem>>, vector<16xf32>,
        %get3A_696 = arith.index_cast %scan3A_685 : i32 to index
        %get3A_697 = arith.constant 16 : index
        %get3A_698 = tpu.vector_load %arg20[%get3A_696, %get3A_697] {strides = array<i32>} : memref<80x128xf32, #tpu.memory_space<vmem>>, vector<16xf32>,
        %mul3A_699 = vector.broadcast %squeeze3A : f32 to vector<16xf32>
        %mul3A_700 = arith.mulf %get3A_698, %mul3A_699 : vector<16xf32>
        %swap3A_701 = arith.index_cast %scan3A_685 : i32 to index
        %swap3A_702 = arith.constant 16 : index
        %swap3A_703 = tpu.vector_load %arg20[%swap3A_701, %swap3A_702] {strides = array<i32>} : memref<80x128xf32, #tpu.memory_space<vmem>>, vector<16xf32>,
        tpu.vector_store %arg20[%swap3A_701, %swap3A_702], %mul3A_700 {strides = array<i32>} : memref<80x128xf32, #tpu.memory_space<vmem>>, vector<16xf32>,
        %get3A_704 = arith.index_cast %scan3A_685 : i32 to index
        %get3A_705 = arith.constant 32 : index
        %get3A_706 = tpu.vector_load %arg20[%get3A_704, %get3A_705] {strides = array<i32>} : memref<80x128xf32, #tpu.memory_space<vmem>>, vector<16xf32>,
        %mul3A_707 = vector.broadcast %squeeze3A : f32 to vector<16xf32>
        %mul3A_708 = arith.mulf %get3A_706, %mul3A_707 : vector<16xf32>
        %swap3A_709 = arith.index_cast %scan3A_685 : i32 to index
        %swap3A_710 = arith.constant 32 : index
        %swap3A_711 = tpu.vector_load %arg20[%swap3A_709, %swap3A_710] {strides = array<i32>} : memref<80x128xf32, #tpu.memory_space<vmem>>, vector<16xf32>,
        tpu.vector_store %arg20[%swap3A_709, %swap3A_710], %mul3A_708 {strides = array<i32>} : memref<80x128xf32, #tpu.memory_space<vmem>>, vector<16xf32>,
        %get3A_712 = arith.index_cast %scan3A_685 : i32 to index
        %get3A_713 = arith.constant 48 : index
        %get3A_714 = tpu.vector_load %arg20[%get3A_712, %get3A_713] {strides = array<i32>} : memref<80x128xf32, #tpu.memory_space<vmem>>, vector<16xf32>,
        %mul3A_715 = vector.broadcast %squeeze3A : f32 to vector<16xf32>
        %mul3A_716 = arith.mulf %get3A_714, %mul3A_715 : vector<16xf32>
        %swap3A_717 = arith.index_cast %scan3A_685 : i32 to index
        %swap3A_718 = arith.constant 48 : index
        %swap3A_719 = tpu.vector_load %arg20[%swap3A_717, %swap3A_718] {strides = array<i32>} : memref<80x128xf32, #tpu.memory_space<vmem>>, vector<16xf32>,
        tpu.vector_store %arg20[%swap3A_717, %swap3A_718], %mul3A_716 {strides = array<i32>} : memref<80x128xf32, #tpu.memory_space<vmem>>, vector<16xf32>,
        %get3A_720 = arith.index_cast %scan3A_685 : i32 to index
        %get3A_721 = arith.constant 64 : index
        %get3A_722 = tpu.vector_load %arg20[%get3A_720, %get3A_721] {strides = array<i32>} : memref<80x128xf32, #tpu.memory_space<vmem>>, vector<16xf32>,
        %mul3A_723 = vector.broadcast %squeeze3A : f32 to vector<16xf32>
        %mul3A_724 = arith.mulf %get3A_722, %mul3A_723 : vector<16xf32>
        %swap3A_725 = arith.index_cast %scan3A_685 : i32 to index
        %swap3A_726 = arith.constant 64 : index
        %swap3A_727 = tpu.vector_load %arg20[%swap3A_725, %swap3A_726] {strides = array<i32>} : memref<80x128xf32, #tpu.memory_space<vmem>>, vector<16xf32>,
        tpu.vector_store %arg20[%swap3A_725, %swap3A_726], %mul3A_724 {strides = array<i32>} : memref<80x128xf32, #tpu.memory_space<vmem>>, vector<16xf32>,
        %get3A_728 = arith.index_cast %scan3A_685 : i32 to index
        %get3A_729 = arith.constant 80 : index
        %get3A_730 = tpu.vector_load %arg20[%get3A_728, %get3A_729] {strides = array<i32>} : memref<80x128xf32, #tpu.memory_space<vmem>>, vector<16xf32>,
        %mul3A_731 = vector.broadcast %squeeze3A : f32 to vector<16xf32>
        %mul3A_732 = arith.mulf %get3A_730, %mul3A_731 : vector<16xf32>
        %swap3A_733 = arith.index_cast %scan3A_685 : i32 to index
        %swap3A_734 = arith.constant 80 : index
        %swap3A_735 = tpu.vector_load %arg20[%swap3A_733, %swap3A_734] {strides = array<i32>} : memref<80x128xf32, #tpu.memory_space<vmem>>, vector<16xf32>,
        tpu.vector_store %arg20[%swap3A_733, %swap3A_734], %mul3A_732 {strides = array<i32>} : memref<80x128xf32, #tpu.memory_space<vmem>>, vector<16xf32>,
        %get3A_736 = arith.index_cast %scan3A_685 : i32 to index
        %get3A_737 = arith.constant 96 : index
        %get3A_738 = tpu.vector_load %arg20[%get3A_736, %get3A_737] {strides = array<i32>} : memref<80x128xf32, #tpu.memory_space<vmem>>, vector<16xf32>,
        %mul3A_739 = vector.broadcast %squeeze3A : f32 to vector<16xf32>
        %mul3A_740 = arith.mulf %get3A_738, %mul3A_739 : vector<16xf32>
        %swap3A_741 = arith.index_cast %scan3A_685 : i32 to index
        %swap3A_742 = arith.constant 96 : index
        %swap3A_743 = tpu.vector_load %arg20[%swap3A_741, %swap3A_742] {strides = array<i32>} : memref<80x128xf32, #tpu.memory_space<vmem>>, vector<16xf32>,
        tpu.vector_store %arg20[%swap3A_741, %swap3A_742], %mul3A_740 {strides = array<i32>} : memref<80x128xf32, #tpu.memory_space<vmem>>, vector<16xf32>,
        %get3A_744 = arith.index_cast %scan3A_685 : i32 to index
        %get3A_745 = arith.constant 112 : index
        %get3A_746 = tpu.vector_load %arg20[%get3A_744, %get3A_745] {strides = array<i32>} : memref<80x128xf32, #tpu.memory_space<vmem>>, vector<16xf32>,
        %mul3A_747 = vector.broadcast %squeeze3A : f32 to vector<16xf32>
        %mul3A_748 = arith.mulf %get3A_746, %mul3A_747 : vector<16xf32>
        %swap3A_749 = arith.index_cast %scan3A_685 : i32 to index
        %swap3A_750 = arith.constant 112 : index
        %swap3A_751 = tpu.vector_load %arg20[%swap3A_749, %swap3A_750] {strides = array<i32>} : memref<80x128xf32, #tpu.memory_space<vmem>>, vector<16xf32>,
        tpu.vector_store %arg20[%swap3A_749, %swap3A_750], %mul3A_748 {strides = array<i32>} : memref<80x128xf32, #tpu.memory_space<vmem>>, vector<16xf32>,
      }
      %scan3A_684 = arith.constant 80 : i32
      "tpu.region"() ({
        %run_scoped3A = tpu.sem_alloc : memref<!tpu.dma_semaphore, #tpu.memory_space<semaphore_mem>>
        %dma_start3A_685 = arith.constant 0 : i32
        %dma_start3A_686 = arith.constant 0 : i32
        %dma_start3A_687 = tpu.memref_slice %arg21[%dma_start3A_685, %dma_start3A_686] : memref<10240x128xf32, #tpu.memory_space<vmem_shared>> -> memref<10240x128xf32, #tpu.memory_space<vmem_shared>>
        tpu.enqueue_indirect_dma source(%arg20 : memref<80x128xf32, #tpu.memory_space<vmem>>) target(%dma_start3A_687 : memref<10240x128xf32, #tpu.memory_space<vmem_shared>>) offsets(%arg16 : memref<80xi32, #tpu.memory_space<vmem>>) semaphore(%run_scoped3A : memref<!tpu.dma_semaphore, #tpu.memory_space<semaphore_mem>>) {add = true}
        %dma_wait3A_688 = arith.constant 0 : i32
        %dma_wait3A_689 = arith.constant 0 : i32
        %dma_wait3A_690 = tpu.memref_slice %arg21[%dma_wait3A_688, %dma_wait3A_689] : memref<10240x128xf32, #tpu.memory_space<vmem_shared>> -> memref<10240x128xf32, #tpu.memory_space<vmem_shared>>
        tpu.wait_indirect_dma semaphore(%run_scoped3A : memref<!tpu.dma_semaphore, #tpu.memory_space<semaphore_mem>>) src(%arg20 : memref<80x128xf32, #tpu.memory_space<vmem>>) dst(%dma_wait3A_690 : memref<10240x128xf32, #tpu.memory_space<vmem_shared>>)
        tpu.yield
      }) : () -> ()
    }
    %scan3A_335 = arith.constant 125 : i32
    "tpu.region"() ({
      %run_scoped3A = tpu.sem_alloc : memref<!tpu.dma_semaphore, #tpu.memory_space<semaphore_mem>>
      %dma_start3A_346 = arith.constant 0 : i32
      %dma_start3A_347 = arith.constant 0 : i32
      %dma_start3A_348 = tpu.memref_slice %arg22[%dma_start3A_346, %dma_start3A_347] : memref<80x128xf32, #tpu.memory_space<vmem_shared>> -> memref<80x128xf32, #tpu.memory_space<vmem_shared>>
      tpu.enqueue_indirect_dma source(%arg18 : memref<80x128xf32, #tpu.memory_space<vmem>>) target(%dma_start3A_348 : memref<80x128xf32, #tpu.memory_space<vmem_shared>>) offsets(%arg17 : memref<80xi32, #tpu.memory_space<vmem>>) semaphore(%run_scoped3A : memref<!tpu.dma_semaphore, #tpu.memory_space<semaphore_mem>>) {add = true}
      %dma_wait3A_349 = arith.constant 0 : i32
      %dma_wait3A_350 = arith.constant 0 : i32
      %dma_wait3A_351 = tpu.memref_slice %arg22[%dma_wait3A_349, %dma_wait3A_350] : memref<80x128xf32, #tpu.memory_space<vmem_shared>> -> memref<80x128xf32, #tpu.memory_space<vmem_shared>>
      tpu.wait_indirect_dma semaphore(%run_scoped3A : memref<!tpu.dma_semaphore, #tpu.memory_space<semaphore_mem>>) src(%arg18 : memref<80x128xf32, #tpu.memory_space<vmem>>) dst(%dma_wait3A_351 : memref<80x128xf32, #tpu.memory_space<vmem_shared>>)
      tpu.yield
    }) : () -> ()
    %barrier3A_336 = arith.constant 0 : index
    tpu.barrier barrier_id(%barrier3A_336)
    %mul3A_337 = arith.constant 640 : i32
    %mul3A_338 = arith.muli %arg1, %mul3A_337 : i32
    %mul3A_339 = arith.constant 640 : i32
    %mul3A_340 = arith.muli %arg1, %mul3A_339 : i32
    "tpu.region"() ({
      %run_scoped3A = tpu.sem_alloc : memref<!tpu.dma_semaphore, #tpu.memory_space<semaphore_mem>>
      %dma_start3A_346 = arith.constant 0 : i32
      %dma_start3A_347 = tpu.memref_slice %arg6[%arg0, %mul3A_340, %dma_start3A_346] : memref<1x10240x128xf32, #tpu.memory_space<hbm>> -> memref<1x640x128xf32, #tpu.memory_space<hbm>>
      %dma_start3A_348 = tpu.memref_squeeze %dma_start3A_347 : memref<1x640x128xf32, #tpu.memory_space<hbm>> -> memref<640x128xf32, #tpu.memory_space<hbm>>
      %dma_start3A_349 = arith.constant 0 : i32
      %dma_start3A_350 = tpu.memref_slice %arg21[%mul3A_338, %dma_start3A_349] : memref<10240x128xf32, #tpu.memory_space<vmem_shared>> -> memref<640x128xf32, #tpu.memory_space<vmem_shared>>
      tpu.enqueue_dma source(%dma_start3A_350 : memref<640x128xf32, #tpu.memory_space<vmem_shared>>) target(%dma_start3A_348 : memref<640x128xf32, #tpu.memory_space<hbm>>) target_semaphore(%run_scoped3A : memref<!tpu.dma_semaphore, #tpu.memory_space<semaphore_mem>>)
      %dma_wait3A_351 = arith.constant 0 : i32
      %dma_wait3A_352 = tpu.memref_slice %arg6[%arg0, %mul3A_340, %dma_wait3A_351] : memref<1x10240x128xf32, #tpu.memory_space<hbm>> -> memref<1x640x128xf32, #tpu.memory_space<hbm>>
      %dma_wait3A_353 = tpu.memref_squeeze %dma_wait3A_352 : memref<1x640x128xf32, #tpu.memory_space<hbm>> -> memref<640x128xf32, #tpu.memory_space<hbm>>
      %dma_wait3A_354 = arith.constant 0 : i32
      %dma_wait3A_355 = tpu.memref_slice %arg21[%mul3A_338, %dma_wait3A_354] : memref<10240x128xf32, #tpu.memory_space<vmem_shared>> -> memref<640x128xf32, #tpu.memory_space<vmem_shared>>
      tpu.wait_dma2 semaphore(%run_scoped3A : memref<!tpu.dma_semaphore, #tpu.memory_space<semaphore_mem>>) src(%dma_wait3A_355 : memref<640x128xf32, #tpu.memory_space<vmem_shared>>) dst(%dma_wait3A_353 : memref<640x128xf32, #tpu.memory_space<hbm>>)
      tpu.yield
    }) : () -> ()
    %lt3A_341 = arith.constant 10 : i32
    %lt3A_342 = arith.cmpi slt, %arg1, %lt3A_341 : i32
    %convert_element_type3A_343 = arith.extui %lt3A_342 : i1 to i32
    %cond3A_344 = arith.constant 0 : i32
    %cond3A_345 = arith.cmpi ne, %convert_element_type3A_343, %cond3A_344 : i32
    scf.if %cond3A_345 {
      %mul3A_346 = arith.constant 8 : i32
      %mul3A_347 = arith.muli %arg1, %mul3A_346 : i32
      %mul3A_348 = arith.constant 8 : i32
      %mul3A_349 = arith.muli %arg1, %mul3A_348 : i32
      "tpu.region"() ({
        %run_scoped3A = tpu.sem_alloc : memref<!tpu.dma_semaphore, #tpu.memory_space<semaphore_mem>>
        %dma_start3A_350 = arith.constant 0 : i32
        %dma_start3A_351 = tpu.memref_slice %arg7[%arg0, %mul3A_349, %dma_start3A_350] : memref<1x80x128xf32, #tpu.memory_space<hbm>> -> memref<1x8x128xf32, #tpu.memory_space<hbm>>
        %dma_start3A_352 = tpu.memref_squeeze %dma_start3A_351 : memref<1x8x128xf32, #tpu.memory_space<hbm>> -> memref<8x128xf32, #tpu.memory_space<hbm>>
        %dma_start3A_353 = arith.constant 0 : i32
        %dma_start3A_354 = tpu.memref_slice %arg22[%mul3A_347, %dma_start3A_353] : memref<80x128xf32, #tpu.memory_space<vmem_shared>> -> memref<8x128xf32, #tpu.memory_space<vmem_shared>>
        tpu.enqueue_dma source(%dma_start3A_354 : memref<8x128xf32, #tpu.memory_space<vmem_shared>>) target(%dma_start3A_352 : memref<8x128xf32, #tpu.memory_space<hbm>>) target_semaphore(%run_scoped3A : memref<!tpu.dma_semaphore, #tpu.memory_space<semaphore_mem>>)
        %dma_wait3A_355 = arith.constant 0 : i32
        %dma_wait3A_356 = tpu.memref_slice %arg7[%arg0, %mul3A_349, %dma_wait3A_355] : memref<1x80x128xf32, #tpu.memory_space<hbm>> -> memref<1x8x128xf32, #tpu.memory_space<hbm>>
        %dma_wait3A_357 = tpu.memref_squeeze %dma_wait3A_356 : memref<1x8x128xf32, #tpu.memory_space<hbm>> -> memref<8x128xf32, #tpu.memory_space<hbm>>
        %dma_wait3A_358 = arith.constant 0 : i32
        %dma_wait3A_359 = tpu.memref_slice %arg22[%mul3A_347, %dma_wait3A_358] : memref<80x128xf32, #tpu.memory_space<vmem_shared>> -> memref<8x128xf32, #tpu.memory_space<vmem_shared>>
        tpu.wait_dma2 semaphore(%run_scoped3A : memref<!tpu.dma_semaphore, #tpu.memory_space<semaphore_mem>>) src(%dma_wait3A_359 : memref<8x128xf32, #tpu.memory_space<vmem_shared>>) dst(%dma_wait3A_357 : memref<8x128xf32, #tpu.memory_space<hbm>>)
        tpu.yield
      }) : () -> ()
    } else {
    }
    return
  }
}

module attributes {stable_mosaic.version = 14 : i64} {
  func.func @_scores_body(%arg0: memref<10000x128xf32, #tpu.memory_space<vmem>>, %arg1: memref<128x2xf32, #tpu.memory_space<vmem>>, %arg2: memref<10000x2xf32, #tpu.memory_space<vmem>>) attributes {dimension_semantics = [], scalar_prefetch = 0 : i64, scratch_operands = 0 : i64, tpu.core_type = #tpu.core_type<tc>} {
    %get3A = arith.constant 0 : index
    %get3A_0 = arith.constant 0 : index
    %get3A_1 = vector.load %arg0[%get3A, %get3A_0] : memref<10000x128xf32, #tpu.memory_space<vmem>>, vector<10000x128xf32>
    %get3A_2 = arith.constant 0 : index
    %get3A_3 = arith.constant 0 : index
    %get3A_4 = vector.load %arg1[%get3A_2, %get3A_3] : memref<128x2xf32, #tpu.memory_space<vmem>>, vector<128x2xf32>
    %dot_general3A = arith.constant dense<0.000000e+00> : vector<10000x2xf32>
    %dot_general3A_5 = tpu.matmul %get3A_1, %get3A_4, %dot_general3A {dimension_numbers = #tpu.dot_dimension_numbers<[1], [0], [0], [1], [0, 0, 1, 1], [], []>, transpose_lhs_hint = false} : vector<10000x128xf32>, vector<128x2xf32>, vector<10000x2xf32> -> vector<10000x2xf32>
    %swap3A = arith.constant 0 : index
    %swap3A_6 = arith.constant 0 : index
    %swap3A_7 = vector.load %arg2[%swap3A, %swap3A_6] : memref<10000x2xf32, #tpu.memory_space<vmem>>, vector<10000x2xf32>
    tpu.vector_store %arg2[%swap3A, %swap3A_6], %dot_general3A_5 {strides = array<i32>} : memref<10000x2xf32, #tpu.memory_space<vmem>>, vector<10000x2xf32>,
    return
  }
}

module attributes {stable_mosaic.version = 14 : i64} {
  func.func @_combine_body(%arg0: i32, %arg1: memref<400x128xf32, #tpu.memory_space<vmem>>, %arg2: memref<400x128xf32, #tpu.memory_space<vmem>>, %arg3: memref<400x1xf32, #tpu.memory_space<vmem>>, %arg4: memref<400x128xf32, #tpu.memory_space<vmem>>) attributes {dimension_semantics = [#tpu.dimension_semantics<arbitrary>], iteration_bounds = array<i64: 25>, scalar_prefetch = 0 : i64, scratch_operands = 0 : i64, tpu.core_type = #tpu.core_type<tc>, window_params = [{transform_indices = @transform_0, window_bounds = array<i64: 400, 128>}, {transform_indices = @transform_1, window_bounds = array<i64: 400, 128>}, {transform_indices = @transform_2, window_bounds = array<i64: 400, 1>}, {transform_indices = @transform_3, window_bounds = array<i64: 400, 128>}]} {
    %get3A = arith.constant 0 : index
    %get3A_0 = arith.constant 0 : index
    %get3A_1 = vector.load %arg2[%get3A, %get3A_0] : memref<400x128xf32, #tpu.memory_space<vmem>>, vector<400x128xf32>
    %get3A_2 = arith.constant 0 : index
    %get3A_3 = arith.constant 0 : index
    %get3A_4 = vector.load %arg3[%get3A_2, %get3A_3] : memref<400x1xf32, #tpu.memory_space<vmem>>, vector<400x1xf32>
    %get3A_5 = arith.constant 0 : index
    %get3A_6 = arith.constant 0 : index
    %get3A_7 = vector.load %arg1[%get3A_5, %get3A_6] : memref<400x128xf32, #tpu.memory_space<vmem>>, vector<400x128xf32>
    %gt3A = arith.constant 0.000000e+00 : f32
    %gt3A_8 = vector.broadcast %gt3A : f32 to vector<400x1xf32>
    %gt3A_9 = arith.cmpf ogt, %get3A_4, %gt3A_8 : vector<400x1xf32>
    %gt3A_10 = arith.constant 0.000000e+00 : f32
    %gt3A_11 = vector.broadcast %gt3A_10 : f32 to vector<400x1xf32>
    %gt3A_12 = arith.cmpf ogt, %get3A_4, %gt3A_11 : vector<400x1xf32>
    %jit3A = arith.constant 1.000000e+00 : f32
    %broadcast_in_dim3A = vector.broadcast %jit3A : f32 to vector<400x1xf32>
    %select_n3A = arith.select %gt3A_12, %get3A_4, %broadcast_in_dim3A : vector<400x1xi1>, vector<400x1xf32>
    %div3A = vector.broadcast %select_n3A : vector<400x1xf32> to vector<400x128xf32>
    %div3A_13 = arith.divf %get3A_1, %div3A : vector<400x128xf32>
    %jit3A_14 = arith.constant 0.000000e+00 : f32
    %broadcast_in_dim3A_15 = vector.shape_cast %gt3A_9 : vector<400x1xi1> to vector<400x1xi1>
    %broadcast_in_dim3A_16 = vector.broadcast %broadcast_in_dim3A_15 : vector<400x1xi1> to vector<400x128xi1>
    %broadcast_in_dim3A_17 = vector.broadcast %jit3A_14 : f32 to vector<400x128xf32>
    %select_n3A_18 = arith.select %broadcast_in_dim3A_16, %div3A_13, %broadcast_in_dim3A_17 : vector<400x128xi1>, vector<400x128xf32>
    %add3A = arith.addf %get3A_7, %select_n3A_18 : vector<400x128xf32>
    %swap3A = arith.constant 0 : index
    %swap3A_19 = arith.constant 0 : index
    %swap3A_20 = vector.load %arg4[%swap3A, %swap3A_19] : memref<400x128xf32, #tpu.memory_space<vmem>>, vector<400x128xf32>
    tpu.vector_store %arg4[%swap3A, %swap3A_19], %add3A {strides = array<i32>} : memref<400x128xf32, #tpu.memory_space<vmem>>, vector<400x128xf32>,
    return
  }
  func.func @transform_0(%arg0: i32) -> (i32, i32) {
    %c0_i32 = arith.constant 0 : i32
    %c0_i32_0 = arith.constant 0 : i32
    return %arg0, %c0_i32 : i32, i32
  }
  func.func @transform_1(%arg0: i32) -> (i32, i32) {
    %c0_i32 = arith.constant 0 : i32
    %c0_i32_0 = arith.constant 0 : i32
    return %arg0, %c0_i32 : i32, i32
  }
  func.func @transform_2(%arg0: i32) -> (i32, i32) {
    %c0_i32 = arith.constant 0 : i32
    %c0_i32_0 = arith.constant 0 : i32
    return %arg0, %c0_i32 : i32, i32
  }
  func.func @transform_3(%arg0: i32) -> (i32, i32) {
    %c0_i32 = arith.constant 0 : i32
    %c0_i32_0 = arith.constant 0 : i32
    return %arg0, %c0_i32 : i32, i32
  }
}

</mosaic_0001>

<sc_bundles>
// kernel: kernel.5.cloned.1.call-start
scs
__scs_entry_jumppad:
0x0: {  	(pc) =	sbr.rel $0x88, $3  }
0x1: {  	(tag) =	ssettag $0x0;
	lr =	simm.s32 $0x1  }
0x2: {  	[smem:$0x3F9E] =	sst lr;
	_ =	strace $0xD0000000  }
0x3: {  	_ = 	snop  }
0x4: {  	_ = 	snop  }
0x5: {  	_ = 	snop  }
0x6: {  	_ = 	snop  }
0x7: {  	_ = 	snop  }
__scs_overlays_trampoline_lowered:
0x8: {  	[smem:$0x3FAD] =	sst s0  }
0x9: {  	[smem:$0x3FAE] =	sst s1  }
0xa: {  	[smem:$0x3FAF] =	sst s2  }
0xb: {  	[smem:$0x3FB0] =	sst s3  }
0xc: {  	[smem:$0x3FB1] =	sst s4  }
0xd: {  	[smem:$0x3FB2] =	sst s5  }
0xe: {  	[smem:$0x3FB3] =	sst s6  }
0xf: {  	[smem:$0x3FB4] =	sst s7  }
0x10: {  	[smem:$0x3FB5] =	sst s8  }
0x11: {  	[smem:$0x3FB6] =	sst s9;
	s0 =	simm.s32 @!p0 $0x0  }
0x12: {  	s1 =	sld [smem:$0x3F9C];
	s0 =	simm.s32 @p0 $0x1  }
0x13: {  	[smem:$0x3FB7] =	sst s0;
	s0 =	simm.s32 @!p1 $0x0  }
0x14: {  	s2 =	sld [smem:$0x3F9B];
	s0 =	simm.s32 @p1 $0x1  }
0x15: {  	[smem:$0x3FB8] =	sst s0;
	s0 =	simm.s32 @!p2 $0x0  }
0x16: {  	s3 =	sld [smem:$0x3FDB];
	s0 =	simm.s32 @p2 $0x1  }
0x17: {  	s4 =	simm.s32 $0x1BF5;
	[smem:$0x3FBA] =	sst s0  }
0x18: {  	s0 =	sld [smem:$0x3F9D];
	_ =	swait.ge [sflag:s4], $0x0  }
0x19: {  	s7 =	sld [smem:$0x3F9E]  }
0x1a: {  	s8 =	sadd.s32 $0xFFFFE003, lr  }
0x1b: {  	s9 =	sadd.s32 $0xFFFFFEF7, lr;
	s5 =	simm.s32 $0xFFFFFFFF;
	p2 =	slt.u32 s8, $0xFFFFF086  }
0x1c: {  	p1 =	slt.u32 s9, $0xF7A;
	s5 =	simm.s32 @!p2 $0x0  }
0x1d: {  	s5 =	simm.s32 @p1 $0x1;
	p0 =	seq.s32 s7, s2  }
0x1e: {  	s7 =	smul.u32 @!p0 $0xF7A, s2;
	p2 =	seq.s32 @!p0 s5, $0x0  }
0x1f: {  	s9 =	smul.u32 $0xF7A, s1;
	s8 =	simm.s32 @!p0 $0x1BF5;
	p2 =	por !p2, p0  }
0x20: {  	[sflag:s8] =	ssyncset.s32 @!p0 $0xFFFFF086;
	s6 =	sadd.s32 @!p0 s3, s7;
	s7 =	simm.s32 @!p0 $0x108  }
0x21: {  	s3 =	sadd.s32 s3, s9;
	s6 =	sadd.s32 @!p0 $0x88, s6;
	s7 =	simm.s32 @p2 $0x1082  }
0x22: {  	[simem:s7], [sflag:s8] =	dma.local @!p0 [hbm:s6], $0xF7A  }
0x23: {  	s9 =	sor.u32 $0xD0000000, s2;
	s6 =	simm.s32 $0x108;
	_ =	swait.ge @!p0 [sflag:s8], $0x0  }
0x24: {  	s3 =	sadd.s32 $0x88, s3;
	s6 =	simm.s32 @!p1 $0x1082;
	[sflag:s4] =	ssyncset.s32 $0xFFFFF086  }
0x25: {  	[simem:s6], [sflag:s4] =	dma.local [hbm:s3], $0xF7A  }
0x26: {  	[smem:$0x3F9E] =	sst s1;
	(tag) =	ssettag s2;
	_ =	strace s9  }
0x27: {  	s1 =	sld [smem:$0x3FAE]  }
0x28: {  	s2 =	sld [smem:$0x3FAF]  }
0x29: {  	s4 =	sld [smem:$0x3FB1]  }
0x2a: {  	p0 =	seq.s32 s5, $0x0;
	s5 =	sld [smem:$0x3FB2]  }
0x2b: {  	s6 =	sld [smem:$0x3FB3]  }
0x2c: {  	s7 =	sld [smem:$0x3FB4]  }
0x2d: {  	s3 =	simm.s32 $0x108;
	s8 =	sld [smem:$0x3FB5]  }
0x2e: {  	s3 =	simm.s32 @!p0 $0x1082;
	s9 =	sld [smem:$0x3FB6]  }
0x2f: {  	lr =	sadd.s32 s0, s3;
	s0 =	sld [smem:$0x3FAD]  }
0x30: {  	s3 =	sld [smem:$0x3FB0]  }
0x31: {  	[smem:$0x3FB9] =	sst s10  }
0x32: {  	s10 =	sld [smem:$0x3FB7];
	_ =	sdelay $0x3  }
0x33: {  	p0 =	seq.s32 s10, $0x1;
	s10 =	sld [smem:$0x3FB9];
	_ =	sdelay $0x3  }
0x34: {  	[smem:$0x3FB9] =	sst s10  }
0x35: {  	s10 =	sld [smem:$0x3FB8];
	_ =	sdelay $0x3  }
0x36: {  	p1 =	seq.s32 s10, $0x1;
	s10 =	sld [smem:$0x3FB9];
	_ =	sdelay $0x3  }
0x37: {  	[smem:$0x3FB9] =	sst s10  }
0x38: {  	s10 =	sld [smem:$0x3FBA]  }
0x39: {  	_ = 	snop;
	(pc) =	sbr.ind lr, $3  }
0x3a: {  	_ = 	snop  }
0x3b: {  	_ = 	snop  }
0x3c: {  	p2 =	seq.s32 s10, $0x1;
	s10 =	sld [smem:$0x3FB9]  }
0x3d: {  	_ =	shalt  }
0x3e: {  	_ =	shalt  }
0x3f: {  	_ =	shalt  }
0x40: {  	_ =	shalt  }
0x41: {  	_ =	shalt  }
0x42: {  	_ =	shalt  }
0x43: {  	_ =	shalt  }
0x44: {  	_ =	shalt  }
0x45: {  	_ =	shalt  }
0x46: {  	_ =	shalt  }
0x47: {  	_ =	shalt  }
0x48: {  	_ =	shalt  }
0x49: {  	_ =	shalt  }
0x4a: {  	_ =	shalt  }
0x4b: {  	_ =	shalt  }
0x4c: {  	_ =	shalt  }
0x4d: {  	_ =	shalt  }
0x4e: {  	_ =	shalt  }
0x4f: {  	_ =	shalt  }
0x50: {  	_ =	shalt  }
0x51: {  	_ =	shalt  }
0x52: {  	_ =	shalt  }
0x53: {  	_ =	shalt  }
0x54: {  	_ =	shalt  }
0x55: {  	_ =	shalt  }
0x56: {  	_ =	shalt  }
0x57: {  	_ =	shalt  }
0x58: {  	_ =	shalt  }
0x59: {  	_ =	shalt  }
0x5a: {  	_ =	shalt  }
0x5b: {  	_ =	shalt  }
0x5c: {  	_ =	shalt  }
0x5d: {  	_ =	shalt  }
0x5e: {  	_ =	shalt  }
0x5f: {  	_ =	shalt  }
0x60: {  	_ =	shalt  }
0x61: {  	_ =	shalt  }
0x62: {  	_ =	shalt  }
0x63: {  	_ =	shalt  }
0x64: {  	_ =	shalt  }
0x65: {  	_ =	shalt  }
0x66: {  	_ =	shalt  }
0x67: {  	_ =	shalt  }
0x68: {  	_ =	shalt  }
0x69: {  	_ =	shalt  }
0x6a: {  	_ =	shalt  }
0x6b: {  	_ =	shalt  }
0x6c: {  	_ =	shalt  }
0x6d: {  	_ =	shalt  }
0x6e: {  	_ =	shalt  }
0x6f: {  	_ =	shalt  }
0x70: {  	_ =	shalt  }
0x71: {  	_ =	shalt  }
0x72: {  	_ =	shalt  }
0x73: {  	_ =	shalt  }
0x74: {  	_ =	shalt  }
0x75: {  	_ =	shalt  }
0x76: {  	_ =	shalt  }
0x77: {  	_ =	shalt  }
0x78: {  	_ =	shalt  }
0x79: {  	_ =	shalt  }
0x7a: {  	_ =	shalt  }
0x7b: {  	_ =	shalt  }
0x7c: {  	_ =	shalt  }
0x7d: {  	_ =	shalt  }
0x7e: {  	_ =	shalt  }
0x7f: {  	_ =	shalt  }
0x80: {  	_ =	shalt  }
0x81: {  	_ =	shalt  }
0x82: {  	_ =	shalt  }
0x83: {  	_ =	shalt  }
0x84: {  	_ =	shalt  }
0x85: {  	_ =	shalt  }
0x86: {  	_ =	shalt  }
0x87: {  	_ =	shalt  }
.Lfunc_end0:
.L_simem_size_0:
called_computation_lowered:
.L_overlay_start_0:
0x88: {  	s0 =	sld [smem:$0x3FD9]  }
0x89: {  	s1 =	sld [smem:$0x3FFE];
	_ =	sdelay $0x3  }
0x8a: {  	s0 =	sadd.s32 s1, s0  }
0x8b: {  	[smem:$0x3FC5] =	sst s0  }
0x8c: {  	_ = 	snop  }
0x8d: {  	s0 =	sld [smem:$0x3FD0];
	(tm) =	ssettm $0x1  }
0x8e: {  	s16 =	sld [smem:$0x3FFB];
	_ =	sdelay $0x3  }
0x8f: {  	_ =	strace s16  }
0x90: {  	s1 =	sld [smem:$0x3FFC];
	_ =	sdelay $0x3  }
0x91: {  	_ =	strace s1  }
0x92: {  	s1 =	sld [smem:$0x3FFD];
	_ =	sdelay $0x3  }
0x93: {  	_ =	strace s1  }
0x94: {  	_ =	strace $0x8FFFFFFF  }
0x95: {  	s17 =	sld [smem:$0x3FDB];
	_ =	sdelay $0x1  }
0x96: {  	s2 =	simm.s32 $_scs_section_size  }
0x97: {  	s3 =	simm.s32 $_size__tile_overlayer_lowered;
	s4 =	simm.s32 $_tile_overlayer_lowered  }
0x98: {  	s20 =	simm.s32 $0x1BFF;
	s19 =	sshll.u32 s4, $0x1;
	s1 =	sadd.s32 s2, s17  }
0x99: {  	s5 =	simm.s32 $0x0;
	s18 =	sshll.u32 s3, $0x1;
	s3 =	sadd.s32 s19, s1  }
0x9a: {  	[timem:s5], [sflag:s20] =	dma.local [hbm:s3], s18  }
0x9b: {  	_ =	swait.ge [sflag:s20], s18  }
0x9c: {  	s2 =	ssub.s32 $0x0, s18;
	[sflag:s20] =	ssyncset.done $0x0  }
0x9d: {  	[sflag:s20] =	ssyncadd.s32 s2;
	_ =	sdelay $0x1  }
0x9e: {  	s21 =	simm.s32 $0x1B8B  }
0x9f: {  	_ =	swait.ge [sflag:s21], $0x1  }
0xa0: {  	[sflag:s21] =	ssyncset.done $0x0  }
0xa1: {  	s23 =	simm.s32 $0x1B8E;
	s22 =	sld [smem:$0x3FFE];
	[sflag:s21] =	ssyncadd.s32 $0xFFFFFFFF  }
0xa2: {  	s24 =	simm.s32 $execute0_lowered;
	[smem:$0x3FD2] =	sst s23  }
0xa3: {  	s3 =	sshll.u32 s24, $0x1;
	_ =	strace $0x80000046;
	[dreg:$0x1] =	wrdreg $0xFFFFFFFF  }
0xa4: {  	s25 =	simm.s32 $_size_execute0_lowered;
	s1 =	sadd.s32 s1, s3;
	[dreg:$0x0] =	wrdreg $0x0  }
0xa5: {  	s3 =	sshll.u32 s25, $0x1;
	[dreg:$0x2] =	wrdreg s1  }
0xa6: {  	[dreg:$0x3] =	wrdreg s3  }
0xa7: {  	[dreg:$0x4] =	wrdreg $0xC0  }
0xa8: {  	_ =	task [dreg:s5], $0x5FFFF  }
0xa9: {  	[dreg:$0x1] =	wrdreg $0xFFFFFFFF  }
0xaa: {  	[dreg:$0x0] =	wrdreg $0x60  }
0xab: {  	[dreg:$0x2] =	wrdreg s22  }
0xac: {  	[dreg:$0x3] =	wrdreg s0  }
0xad: {  	[dreg:$0x4] =	wrdreg $0xA4000  }
0xae: {  	[dreg:$0x5] =	wrdreg $0x1E4000  }
0xaf: {  	[dreg:$0x6] =	wrdreg $0x9  }
0xb0: {  	_ =	task.clear_ibuf [dreg:s5], $0x7FFFF;
	_ =	strace $0x90000046  }
0xb1: {  	s26 =	simm.s32 $0x9;
	_ =	strace $0x80000048  }
0xb2: {  	_ =	swait.ge [sflag:s26], $0x1  }
0xb3: {  	[sflag:s26] =	ssyncadd.s32 $0xFFFFFFFF  }
0xb4: {  	_ =	strace $0x90000048  }
0xb5: {  	_ =	sfence  }
0xb6: {  	s28 =	sld [smem:$0x0];
	_ =	sdelay $0x1  }
0xb7: {  	s29 =	srdreg.scid  }
0xb8: {  	s30 =	sshll.u32 s29, $0xD;
	s31 =	sshrl.u32 s29, $0x2  }
0xb9: {  	s2 =	sand.u32 $0x4000, s30;
	s1 =	sand.u32 $0x1, s29;
	s0 =	sadd.s32 s31, s28  }
0xba: {  	s1 =	sor.u32 s2, s1;
	s0 =	sshll.u32 s0, $0x11  }
0xbb: {  	s0 =	sor.u32 s0, s1  }
0xbc: {  	s0 =	sadd.s32 $0x8F2B, s0  }
0xbd: {  	[sflag:s0] =	ssyncadd.remote.s32 $0x1  }
0xbe: {  	_ =	sfence.sel $0xFFFF  }
0xbf: {  	[dreg:$0x0] =	wrdreg $0xFFFFFFFF;
	(pc) =	sbr.abs _section_cstart, $3  }
0xc0: {  	[dreg:$0x1] =	wrdreg $0xFFFFFFFF  }
0xc1: {  	_ =	task.clear_ibuf [dreg:s5], $0x2FFFF;
	_ =	strace $0x9FFFFFFF  }
0xc2: {  	(tm) =	ssettm $0x7FFFFFFF  }
0xc3: {  	_ =	shalt  }
tec
execute0_lowered:
.L_overlay_start_1:
0x0: {  	(tag) =	ssettag $0x1  }
0x1: {  	s3 =	rddreg [dreg:$0x0]  }
0x2: {  	s4 =	rddreg [dreg:$0x1]  }
0x3: {  	s5 =	rddreg [dreg:$0x2]  }
0x4: {  	s0 =	rddreg [dreg:$0x3];
	s2 =	simm.s32 $0x0  }
0x5: {  	[smem:$0x7FF] =	sst s2  }
0x6: {  	s31 =	simm.s32 $0x5;
	s6 =	sadd.s32 $0x31000, s3;
	_ =	strace $0x80000047  }
0x7: {  	[tilespmem:s2], [sflag:$0x5] =	stream.linear.gather [hbm4b:s6+s2], $0x2780, $0x38;
	[tilespmem:$0x1E680] =	vst v63  }
0x8: {  	_ =	swait.ge [sflag:s31], $0x2780  }
0x9: {  	[sflag:s31] =	ssyncset.done $0x0  }
0xa: {  	v0 =	vlaneseq.u32;
	[sflag:s31] =	ssyncadd.s32 $0xFFFFD880  }
0xb: {  	v1 =	vor.u32 $0x10, v0;
	[tilespmem:$0x2B80] =	vst v0  }
0xc: {  	[tilespmem:$0x2B90] =	vst v1;
	v1 =	vor.u32 $0x20, v0  }
0xd: {  	[tilespmem:$0x2BA0] =	vst v1;
	v1 =	vor.u32 $0x30, v0  }
0xe: {  	s7 =	simm.s32 $0x0;
	s8 =	simm.s32 $0x200;
	s15 =	sadd.s32 $0x31600, s3;
	v0 =	vor.u32 $0x40, v0;
	[tilespmem:$0x2BB0] =	vst v1  }
0xf: {  	s21 =	sadd.s32 $0x59600, s3;
	s6 =	sadd.s32 $0x27200, s3;
	s2 =	stileid.u32;
	[tilespmem:$0x2BC0] =	vst v0;
	v0 =	vimm.f32 $0.0e+00  }
.LBB2_1:
0x10: {  	p0 =	sne.s32 s8, $0x9E00;
	[tilespmem:s7+$0x2C70] =	vst v0  }
0x11: {  	[tilespmem:s7+$0x2C00] =	vst v0  }
0x12: {  	[tilespmem:s7+$0x2C10] =	vst v0  }
.Ltmp0:
0x13: {  	[tilespmem:s7+$0x2C20] =	vst v0;
	(pc) =	sbr.rel @p0 .LBB2_1-.Ltmp0, $4  }
0x14: {  	[tilespmem:s7+$0x2C30] =	vst v0  }
0x15: {  	[tilespmem:s7+$0x2C40] =	vst v0  }
0x16: {  	[tilespmem:s7+$0x2C50] =	vst v0  }
0x17: {  	[tilespmem:s7+$0x2C60] =	vst v0;
	s7 =	sshra.s32 s8, $0x2;
	s8 =	sadd.s32 $0x200, s8  }
0x18: {  	[tilespmem:s7+$0x2C70] =	vst v0  }
0x19: {  	[tilespmem:s7+$0x2C00] =	vst v0  }
0x1a: {  	[tilespmem:s7+$0x2C10] =	vst v0  }
0x1b: {  	[tilespmem:s7+$0x2C20] =	vst v0  }
0x1c: {  	[tilespmem:s7+$0x2C30] =	vst v0;
	s8 =	smul.u32 $0x50000, s2  }
0x1d: {  	[tilespmem:s7+$0x2C40] =	vst v0  }
0x1e: {  	[tilespmem:s7+$0x2C50] =	vst v0;
	s8 =	sshrl.u32 s8, $0x2  }
0x1f: {  	[tilespmem:s7+$0x2C60] =	vst v0;
	s9 =	simm.s32 $0x5;
	s7 =	sadd.s32 s8, s5;
	s8 =	simm.s32 $0x2C00  }
0x20: {  	[spmem:s7] =	stream.linear.scatter [tilespmem:s8], [sflag:$0x5], $0x2800, $0x38;
	[tilespmem:$0x1E680] =	vst v63  }
0x21: {  	_ =	swait.ge [sflag:s9], $0x2800  }
0x22: {  	[sflag:s9] =	ssyncset.done $0x0  }
0x23: {  	s10 =	sadd.s32 $0x2800, s7;
	[sflag:s9] =	ssyncadd.s32 $0xFFFFD800  }
0x24: {  	[spmem:s10] =	stream.linear.scatter [tilespmem:s8], [sflag:$0x5], $0x2800, $0x38;
	[tilespmem:$0x1E680] =	vst v63  }
0x25: {  	_ =	swait.ge [sflag:s9], $0x2800  }
0x26: {  	[sflag:s9] =	ssyncset.done $0x0  }
0x27: {  	s18 =	sadd.s32 $0x5000, s7;
	[sflag:s9] =	ssyncadd.s32 $0xFFFFD800  }
0x28: {  	[spmem:s18] =	stream.linear.scatter [tilespmem:s8], [sflag:$0x5], $0x2800, $0x38;
	[tilespmem:$0x1E680] =	vst v63  }
0x29: {  	_ =	swait.ge [sflag:s9], $0x2800  }
0x2a: {  	[sflag:s9] =	ssyncset.done $0x0  }
0x2b: {  	s19 =	sadd.s32 $0x7800, s7;
	[sflag:s9] =	ssyncadd.s32 $0xFFFFD800  }
0x2c: {  	[spmem:s19] =	stream.linear.scatter [tilespmem:s8], [sflag:$0x5], $0x2800, $0x38;
	[tilespmem:$0x1E680] =	vst v63  }
0x2d: {  	_ =	swait.ge [sflag:s9], $0x2800  }
0x2e: {  	[sflag:s9] =	ssyncset.done $0x0  }
0x2f: {  	s20 =	sadd.s32 $0xA000, s7;
	[sflag:s9] =	ssyncadd.s32 $0xFFFFD800  }
0x30: {  	[spmem:s20] =	stream.linear.scatter [tilespmem:s8], [sflag:$0x5], $0x2800, $0x38;
	[tilespmem:$0x1E680] =	vst v63  }
0x31: {  	_ =	swait.ge [sflag:s9], $0x2800  }
0x32: {  	[sflag:s9] =	ssyncset.done $0x0  }
0x33: {  	s22 =	sadd.s32 $0xC800, s7;
	[sflag:s9] =	ssyncadd.s32 $0xFFFFD800  }
0x34: {  	[spmem:s22] =	stream.linear.scatter [tilespmem:s8], [sflag:$0x5], $0x2800, $0x38;
	[tilespmem:$0x1E680] =	vst v63  }
0x35: {  	_ =	swait.ge [sflag:s9], $0x2800  }
0x36: {  	[sflag:s9] =	ssyncset.done $0x0  }
0x37: {  	s23 =	sadd.s32 $0xF000, s7;
	[sflag:s9] =	ssyncadd.s32 $0xFFFFD800  }
0x38: {  	[spmem:s23] =	stream.linear.scatter [tilespmem:s8], [sflag:$0x5], $0x2800, $0x38;
	[tilespmem:$0x1E680] =	vst v63  }
0x39: {  	_ =	swait.ge [sflag:s9], $0x2800  }
0x3a: {  	[sflag:s9] =	ssyncset.done $0x0  }
0x3b: {  	s24 =	sadd.s32 $0x11800, s7;
	[sflag:s9] =	ssyncadd.s32 $0xFFFFD800  }
0x3c: {  	[spmem:s24] =	stream.linear.scatter [tilespmem:s8], [sflag:$0x5], $0x2800, $0x38;
	[tilespmem:$0x1E680] =	vst v63  }
0x3d: {  	_ =	swait.ge [sflag:s9], $0x2800  }
0x3e: {  	p0 =	sgt.u32 s2, $0x9;
	s25 =	sshll.u32 s2, $0xA;
	[sflag:s9] =	ssyncset.done $0x0  }
0x3f: {  	s11 =	simm.s32 @!p0 $0x2C00;
	s10 =	sadd.s32 s25, s0;
	[sflag:s9] =	ssyncadd.s32 $0xFFFFD800  }
0x40: {  	[spmem:s10] =	stream.linear.scatter @!p0 [tilespmem:s11], [sflag:$0x5], $0x400, $0x38;
	[tilespmem:$0x1E680] =	vst v63  }
0x41: {  	s11 =	simm.s32 @!p0 $0x5  }
0x42: {  	s16 =	smul.u32 $0x4E20, s2;
	_ =	swait.ge @!p0 [sflag:s11], $0x400  }
0x43: {  	[sflag:s11] =	ssyncset.done @!p0 $0x0  }
0x44: {  	s14 =	simm.s32 $0x2880;
	s12 =	sshrl.u32 s16, $0x3;
	[sflag:s11] =	ssyncadd.s32 @!p0 $0xFFFFFC00  }
0x45: {  	s13 =	sadd.s32 s6, s12;
	s11 =	simm.s32 $0x0;
	[bflag:$0x0] =	sbarrier.arrive $0xFFFF  }
0x46: {  	[tilespmem:s14], [sflag:$0x1] =	stream.linear.gather [hbm4b:s13+s11], $0x60, $0x38;
	[tilespmem:$0x1E680] =	vst v63  }
0x47: {  	s26 =	sadd.s32 s4, s12;
	s29 =	sadd.s32 $0xA, s12;
	s12 =	simm.s32 $0x2980  }
0x48: {  	[tilespmem:s12], [sflag:$0x1] =	stream.linear.gather [hbm4b:s26+s11], $0x50, $0x38;
	[tilespmem:$0x1E680] =	vst v63  }
0x49: {  	s17 =	simm.s32 $0x2900;
	s30 =	sadd.s32 s6, s29  }
0x4a: {  	[tilespmem:s17], [sflag:$0x2] =	stream.linear.gather [hbm4b:s30+s11], $0x60, $0x38;
	[tilespmem:$0x1E680] =	vst v63  }
0x4b: {  	s14 =	sadd.s32 s4, s29;
	s13 =	simm.s32 $0x2A00  }
0x4c: {  	[tilespmem:s13], [sflag:$0x2] =	stream.linear.gather [hbm4b:s14+s11], $0x50, $0x38;
	[tilespmem:$0x1E680] =	vst v63  }
0x4d: {  	s14 =	simm.s32 $0x1  }
0x4e: {  	_ =	swait.ge [sflag:s14], $0x60  }
0x4f: {  	[sflag:s14] =	ssyncset.done $0x0  }
0x50: {  	[sflag:s14] =	ssyncadd.s32 $0xFFFFFFA0  }
0x51: {  	_ =	swait.ge [sflag:s14], $0x50  }
0x52: {  	[sflag:s14] =	ssyncset.done $0x0  }
0x53: {  	[sflag:s14] =	ssyncadd.s32 $0xFFFFFFB0  }
0x54: {  	v49 =	vld [tilespmem:$0x2880]  }
0x55: {  	v1 =	vld [tilespmem:$0x2980];
	_ =	sdelay $0x5  }
0x56: {  	[tilespmem:$0x2A80] =	vst v49  }
0x57: {  	v2 =	vld.idx.msk [tilespmem:v49+s11+$0x0], $0xffff  }
0x58: {  	v1 =	vld.idx.msk [tilespmem:v1+s11+$0x0], $0xffff;
	_ =	sdelay $0x4  }
0x59: {  	v2 =	vand.u32 $0xFFFF0000, v2;
	v1 =	vshll.u32 v1, $0x10  }
0x5a: {  	v1 =	vadd.f32 v1, v2;
	_ =	sdelay $0x1  }
0x5b: {  	v2 =	vmul.f32 $2.000000030e-01, v1  }
0x5c: {  	vm0 =	vge.f32 v1, $0.0e+00  }
0x5d: {  	v1 =	vsel vm0, v1, v2  }
0x5e: {  	v1 =	vmul.f32 $1.442695020e+00, v1;
	_ =	sdelay $0x1  }
0x5f: {  	(erf) = vpow2.f32 v1;
	_ =	sdelay $0x8  }
0x60: {  	v1 =	vpop (erf)  }
0x61: {  	v50 =	vld [tilespmem:$0x2881];
	(xrf2) =	vadd.scan.msk.f32 $0xffff, v1;
	_ =	sdelay $0x4  }
0x62: {  	vm2 =	vne.s32 v49, v50;
	vm0 =	vcmask $0x3F3C  }
0x63: {  	vm1 =	vmmov $0x7fff;
	vm3 =	vmor vm2, vm0  }
0x64: {  	vm2 =	vmand vm2, vm1;
	_ =	sdelay $0x2  }
0x65: {  	v3, _, _ =	vpop (xrf2)  }
0x66: {  	[tilespmem:$0x2780] =	vst v1;
	v51 =	vsub.f32 $0.0e+00, v3  }
0x67: {  	[tilespmem:v49+s8+$0x0] =	vst.idx.add.f32.msk vm3, v3  }
0x68: {  	[tilespmem:v50+s8+$0x0] =	vst.idx.add.f32.msk vm2, v51  }
0x69: {  	v0 =	vld [tilespmem:$0x2890]  }
0x6a: {  	v1 =	vld [tilespmem:$0x2990];
	_ =	sdelay $0x5  }
0x6b: {  	[tilespmem:$0x2A90] =	vst v0  }
0x6c: {  	v2 =	vld.idx.msk [tilespmem:v0+s11+$0x0], $0xffff  }
0x6d: {  	v1 =	vld.idx.msk [tilespmem:v1+s11+$0x0], $0xffff;
	_ =	sdelay $0x4  }
0x6e: {  	v2 =	vand.u32 $0xFFFF0000, v2;
	v1 =	vshll.u32 v1, $0x10  }
0x6f: {  	v1 =	vadd.f32 v1, v2;
	_ =	sdelay $0x1  }
0x70: {  	v2 =	vmul.f32 $2.000000030e-01, v1  }
0x71: {  	vm2 =	vge.f32 v1, $0.0e+00  }
0x72: {  	v1 =	vsel vm2, v1, v2  }
0x73: {  	v1 =	vmul.f32 $1.442695020e+00, v1;
	_ =	sdelay $0x1  }
0x74: {  	(erf) = vpow2.f32 v1;
	_ =	sdelay $0x8  }
0x75: {  	v1 =	vpop (erf)  }
0x76: {  	v52 =	vld [tilespmem:$0x2891];
	(xrf2) =	vadd.scan.msk.f32 $0xffff, v1;
	_ =	sdelay $0x4  }
0x77: {  	vm2 =	vne.s32 v0, v52  }
0x78: {  	vm3 =	vmor vm2, vm0  }
0x79: {  	vm2 =	vmand vm2, vm1;
	_ =	sdelay $0x2  }
0x7a: {  	v53, _, _ =	vpop (xrf2)  }
0x7b: {  	[tilespmem:$0x2790] =	vst v1;
	v54 =	vsub.f32 $0.0e+00, v53  }
0x7c: {  	[tilespmem:v0+s8+$0x0] =	vst.idx.add.f32.msk vm3, v53  }
0x7d: {  	[tilespmem:v52+s8+$0x0] =	vst.idx.add.f32.msk vm2, v54  }
0x7e: {  	v0 =	vld [tilespmem:$0x28A0]  }
0x7f: {  	v1 =	vld [tilespmem:$0x29A0];
	_ =	sdelay $0x5  }
0x80: {  	[tilespmem:$0x2AA0] =	vst v0  }
0x81: {  	v2 =	vld.idx.msk [tilespmem:v0+s11+$0x0], $0xffff  }
0x82: {  	v1 =	vld.idx.msk [tilespmem:v1+s11+$0x0], $0xffff;
	_ =	sdelay $0x4  }
0x83: {  	v2 =	vand.u32 $0xFFFF0000, v2;
	v1 =	vshll.u32 v1, $0x10  }
0x84: {  	v1 =	vadd.f32 v1, v2;
	_ =	sdelay $0x1  }
0x85: {  	v2 =	vmul.f32 $2.000000030e-01, v1  }
0x86: {  	vm2 =	vge.f32 v1, $0.0e+00  }
0x87: {  	v1 =	vsel vm2, v1, v2  }
0x88: {  	v1 =	vmul.f32 $1.442695020e+00, v1;
	_ =	sdelay $0x1  }
0x89: {  	(erf) = vpow2.f32 v1;
	_ =	sdelay $0x8  }
0x8a: {  	v1 =	vpop (erf)  }
0x8b: {  	v55 =	vld [tilespmem:$0x28A1];
	(xrf2) =	vadd.scan.msk.f32 $0xffff, v1;
	_ =	sdelay $0x4  }
0x8c: {  	vm2 =	vne.s32 v0, v55  }
0x8d: {  	vm3 =	vmor vm2, vm0  }
0x8e: {  	vm2 =	vmand vm2, vm1;
	_ =	sdelay $0x2  }
0x8f: {  	v56, _, _ =	vpop (xrf2)  }
0x90: {  	[tilespmem:$0x27A0] =	vst v1;
	v57 =	vsub.f32 $0.0e+00, v56  }
0x91: {  	[tilespmem:v0+s8+$0x0] =	vst.idx.add.f32.msk vm3, v56  }
0x92: {  	[tilespmem:v55+s8+$0x0] =	vst.idx.add.f32.msk vm2, v57  }
0x93: {  	v0 =	vld [tilespmem:$0x28B0]  }
0x94: {  	v1 =	vld [tilespmem:$0x29B0];
	_ =	sdelay $0x5  }
0x95: {  	[tilespmem:$0x2AB0] =	vst v0  }
0x96: {  	v2 =	vld.idx.msk [tilespmem:v0+s11+$0x0], $0xffff  }
0x97: {  	v1 =	vld.idx.msk [tilespmem:v1+s11+$0x0], $0xffff;
	_ =	sdelay $0x4  }
0x98: {  	v2 =	vand.u32 $0xFFFF0000, v2;
	v1 =	vshll.u32 v1, $0x10  }
0x99: {  	v1 =	vadd.f32 v1, v2;
	_ =	sdelay $0x1  }
0x9a: {  	v2 =	vmul.f32 $2.000000030e-01, v1  }
0x9b: {  	vm2 =	vge.f32 v1, $0.0e+00  }
0x9c: {  	v1 =	vsel vm2, v1, v2  }
0x9d: {  	v1 =	vmul.f32 $1.442695020e+00, v1;
	_ =	sdelay $0x1  }
0x9e: {  	(erf) = vpow2.f32 v1;
	_ =	sdelay $0x8  }
0x9f: {  	v1 =	vpop (erf)  }
0xa0: {  	v58 =	vld [tilespmem:$0x28B1];
	(xrf2) =	vadd.scan.msk.f32 $0xffff, v1;
	_ =	sdelay $0x4  }
0xa1: {  	vm2 =	vne.s32 v0, v58  }
0xa2: {  	vm3 =	vmor vm2, vm0  }
0xa3: {  	vm2 =	vmand vm2, vm1;
	_ =	sdelay $0x2  }
0xa4: {  	v59, _, _ =	vpop (xrf2)  }
0xa5: {  	[tilespmem:$0x27B0] =	vst v1;
	v60 =	vsub.f32 $0.0e+00, v59  }
0xa6: {  	[tilespmem:v0+s8+$0x0] =	vst.idx.add.f32.msk vm3, v59  }
0xa7: {  	[tilespmem:v58+s8+$0x0] =	vst.idx.add.f32.msk vm2, v60  }
0xa8: {  	v0 =	vld [tilespmem:$0x28C0]  }
0xa9: {  	v1 =	vld [tilespmem:$0x29C0];
	_ =	sdelay $0x5  }
0xaa: {  	[tilespmem:$0x2AC0] =	vst v0  }
0xab: {  	v2 =	vld.idx.msk [tilespmem:v0+s11+$0x0], $0xffff  }
0xac: {  	v1 =	vld.idx.msk [tilespmem:v1+s11+$0x0], $0xffff;
	_ =	sdelay $0x4  }
0xad: {  	v2 =	vand.u32 $0xFFFF0000, v2;
	v1 =	vshll.u32 v1, $0x10  }
0xae: {  	v1 =	vadd.f32 v1, v2;
	_ =	sdelay $0x1  }
0xaf: {  	v2 =	vmul.f32 $2.000000030e-01, v1  }
0xb0: {  	vm2 =	vge.f32 v1, $0.0e+00  }
0xb1: {  	v1 =	vsel vm2, v1, v2  }
0xb2: {  	v1 =	vmul.f32 $1.442695020e+00, v1;
	_ =	sdelay $0x1  }
0xb3: {  	(erf) = vpow2.f32 v1;
	_ =	sdelay $0x8  }
0xb4: {  	v1 =	vpop (erf)  }
0xb5: {  	v61 =	vld [tilespmem:$0x28C1];
	(xrf2) =	vadd.scan.msk.f32 $0xffff, v1;
	_ =	sdelay $0x4  }
0xb6: {  	vm2 =	vne.s32 v0, v61  }
0xb7: {  	vm3 =	vmor vm2, vm0  }
0xb8: {  	vm2 =	vmand vm2, vm1;
	_ =	sdelay $0x1  }
0xb9: {  	s31 =	smul.u32 $0x2800, s2;
	s28 =	simm.s32 $0x0;
	s25 =	simm.s32 $0x4  }
0xba: {  	s18 =	sadd.s32 $0xF0, s16;
	s19 =	simm.s32 $0x50;
	s20 =	simm.s32 $0x5400;
	v62, _, _ =	vpop (xrf2)  }
0xbb: {  	s22 =	sshll.u32 s2, $0x7;
	s23 =	simm.s32 $0x3;
	s24 =	simm.s32 $0x2A80;
	[tilespmem:$0x27C0] =	vst v1;
	v63 =	vsub.f32 $0.0e+00, v62  }
0xbc: {  	s26 =	simm.s32 $0x2B00;
	s17 =	sadd.s32 $0xA0, s16;
	s16 =	sadd.s32 s15, s31;
	[tilespmem:v0+s8+$0x0] =	vst.idx.add.f32.msk vm3, v62  }
0xbd: {  	s15 =	sadd.s32 s21, s22;
	s21 =	simm.s32 $0x2;
	s22 =	simm.s32 $0x7C00;
	[tilespmem:v61+s8+$0x0] =	vst.idx.add.f32.msk vm2, v63  }
0xbe: {  	[tilespmem:s20], [sflag:$0x3] =	stream.indirect.gather [hbm4b:s3+s19], $0x80, s12, s19, $0xb8;
	[tilespmem:$0x1E680] =	vst v63  }
.LBB2_3:
0xbf: {  	p1 =	seq.s32 s28, $0x7C  }
0xc0: {  	s30 =	smul.u32 @!p1 $0xA0, s28;
	_ =	sdelay $0x1  }
0xc1: {  	s29 =	sadd.s32 @!p1 s30, s17  }
0xc2: {  	s31 =	sshrl.u32 @!p1 s29, $0x3  }
0xc3: {  	s1 =	simm.s32 @!p1 $0x2880;
	s29 =	simm.s32 @!p1 $0x0;
	s0 =	sadd.s32 @!p1 s6, s31  }
0xc4: {  	[tilespmem:s1], [sflag:$0x1] =	stream.linear.gather @!p1 [hbm4b:s0+s29], $0x60, $0x38;
	[tilespmem:$0x1E680] =	vst v63  }
0xc5: {  	s0 =	sadd.s32 @!p1 s4, s31;
	s1 =	simm.s32 @!p1 $0x2980  }
0xc6: {  	[tilespmem:s1], [sflag:$0x1] =	stream.linear.gather @!p1 [hbm4b:s0+s29], $0x50, $0x38;
	[tilespmem:$0x1E680] =	vst v63  }
0xc7: {  	_ =	swait.ge [sflag:s21], $0x60  }
0xc8: {  	[sflag:s21] =	ssyncset.done $0x0  }
0xc9: {  	[sflag:s21] =	ssyncadd.s32 $0xFFFFFFA0  }
0xca: {  	_ =	swait.ge [sflag:s21], $0x50  }
0xcb: {  	[sflag:s21] =	ssyncset.done $0x0  }
0xcc: {  	[sflag:s21] =	ssyncadd.s32 $0xFFFFFFB0  }
0xcd: {  	v0 =	vld [tilespmem:$0x2900]  }
0xce: {  	v1 =	vld [tilespmem:$0x2A00];
	_ =	sdelay $0x5  }
0xcf: {  	[tilespmem:$0x2B00] =	vst v0  }
0xd0: {  	v2 =	vld.idx.msk [tilespmem:v0+s11+$0x0], $0xffff  }
0xd1: {  	v1 =	vld.idx.msk [tilespmem:v1+s11+$0x0], $0xffff;
	_ =	sdelay $0x4  }
0xd2: {  	v2 =	vand.u32 $0xFFFF0000, v2;
	v1 =	vshll.u32 v1, $0x10  }
0xd3: {  	v1 =	vadd.f32 v1, v2;
	_ =	sdelay $0x1  }
0xd4: {  	v2 =	vmul.f32 $2.000000030e-01, v1  }
0xd5: {  	vm2 =	vge.f32 v1, $0.0e+00  }
0xd6: {  	v1 =	vsel vm2, v1, v2  }
0xd7: {  	v1 =	vmul.f32 $1.442695020e+00, v1;
	_ =	sdelay $0x1  }
0xd8: {  	(erf) = vpow2.f32 v1;
	_ =	sdelay $0x8  }
0xd9: {  	v1 =	vpop (erf)  }
0xda: {  	v2 =	vld [tilespmem:$0x2901];
	(xrf2) =	vadd.scan.msk.f32 $0xffff, v1;
	_ =	sdelay $0x4  }
0xdb: {  	vm2 =	vne.s32 v0, v2  }
0xdc: {  	vm3 =	vmor vm2, vm0  }
0xdd: {  	vm2 =	vmand vm2, vm1;
	_ =	sdelay $0x2  }
0xde: {  	v3, _, _ =	vpop (xrf2)  }
0xdf: {  	[tilespmem:$0x2800] =	vst v1;
	v1 =	vsub.f32 $0.0e+00, v3  }
0xe0: {  	[tilespmem:v0+s8+$0x0] =	vst.idx.add.f32.msk vm3, v3  }
0xe1: {  	[tilespmem:v2+s8+$0x0] =	vst.idx.add.f32.msk vm2, v1  }
0xe2: {  	v0 =	vld [tilespmem:$0x2910]  }
0xe3: {  	v1 =	vld [tilespmem:$0x2A10];
	_ =	sdelay $0x5  }
0xe4: {  	[tilespmem:$0x2B10] =	vst v0  }
0xe5: {  	v2 =	vld.idx.msk [tilespmem:v0+s11+$0x0], $0xffff  }
0xe6: {  	v1 =	vld.idx.msk [tilespmem:v1+s11+$0x0], $0xffff;
	_ =	sdelay $0x4  }
0xe7: {  	v2 =	vand.u32 $0xFFFF0000, v2;
	v1 =	vshll.u32 v1, $0x10  }
0xe8: {  	v1 =	vadd.f32 v1, v2;
	_ =	sdelay $0x1  }
0xe9: {  	v2 =	vmul.f32 $2.000000030e-01, v1  }
0xea: {  	vm2 =	vge.f32 v1, $0.0e+00  }
0xeb: {  	v1 =	vsel vm2, v1, v2  }
0xec: {  	v1 =	vmul.f32 $1.442695020e+00, v1;
	_ =	sdelay $0x1  }
0xed: {  	(erf) = vpow2.f32 v1;
	_ =	sdelay $0x8  }
0xee: {  	v1 =	vpop (erf)  }
0xef: {  	v2 =	vld [tilespmem:$0x2911];
	(xrf2) =	vadd.scan.msk.f32 $0xffff, v1;
	_ =	sdelay $0x4  }
0xf0: {  	vm2 =	vne.s32 v0, v2  }
0xf1: {  	vm3 =	vmor vm2, vm0  }
0xf2: {  	vm2 =	vmand vm2, vm1;
	_ =	sdelay $0x2  }
0xf3: {  	v3, _, _ =	vpop (xrf2)  }
0xf4: {  	[tilespmem:$0x2810] =	vst v1;
	v1 =	vsub.f32 $0.0e+00, v3  }
0xf5: {  	[tilespmem:v0+s8+$0x0] =	vst.idx.add.f32.msk vm3, v3  }
0xf6: {  	[tilespmem:v2+s8+$0x0] =	vst.idx.add.f32.msk vm2, v1  }
0xf7: {  	v0 =	vld [tilespmem:$0x2920]  }
0xf8: {  	v1 =	vld [tilespmem:$0x2A20];
	_ =	sdelay $0x5  }
0xf9: {  	[tilespmem:$0x2B20] =	vst v0  }
0xfa: {  	v2 =	vld.idx.msk [tilespmem:v0+s11+$0x0], $0xffff  }
0xfb: {  	v1 =	vld.idx.msk [tilespmem:v1+s11+$0x0], $0xffff;
	_ =	sdelay $0x4  }
0xfc: {  	v2 =	vand.u32 $0xFFFF0000, v2;
	v1 =	vshll.u32 v1, $0x10  }
0xfd: {  	v1 =	vadd.f32 v1, v2;
	_ =	sdelay $0x1  }
0xfe: {  	v2 =	vmul.f32 $2.000000030e-01, v1  }
0xff: {  	vm2 =	vge.f32 v1, $0.0e+00  }
0x100: {  	v1 =	vsel vm2, v1, v2  }
0x101: {  	v1 =	vmul.f32 $1.442695020e+00, v1;
	_ =	sdelay $0x1  }
0x102: {  	(erf) = vpow2.f32 v1;
	_ =	sdelay $0x8  }
0x103: {  	v1 =	vpop (erf)  }
0x104: {  	v2 =	vld [tilespmem:$0x2921];
	(xrf2) =	vadd.scan.msk.f32 $0xffff, v1;
	_ =	sdelay $0x4  }
0x105: {  	vm2 =	vne.s32 v0, v2  }
0x106: {  	vm3 =	vmor vm2, vm0  }
0x107: {  	vm2 =	vmand vm2, vm1;
	_ =	sdelay $0x2  }
0x108: {  	v3, _, _ =	vpop (xrf2)  }
0x109: {  	[tilespmem:$0x2820] =	vst v1;
	v1 =	vsub.f32 $0.0e+00, v3  }
0x10a: {  	[tilespmem:v0+s8+$0x0] =	vst.idx.add.f32.msk vm3, v3  }
0x10b: {  	[tilespmem:v2+s8+$0x0] =	vst.idx.add.f32.msk vm2, v1  }
0x10c: {  	v0 =	vld [tilespmem:$0x2930]  }
0x10d: {  	v1 =	vld [tilespmem:$0x2A30];
	_ =	sdelay $0x5  }
0x10e: {  	[tilespmem:$0x2B30] =	vst v0  }
0x10f: {  	v2 =	vld.idx.msk [tilespmem:v0+s11+$0x0], $0xffff  }
0x110: {  	v1 =	vld.idx.msk [tilespmem:v1+s11+$0x0], $0xffff;
	_ =	sdelay $0x4  }
0x111: {  	v2 =	vand.u32 $0xFFFF0000, v2;
	v1 =	vshll.u32 v1, $0x10  }
0x112: {  	v1 =	vadd.f32 v1, v2;
	_ =	sdelay $0x1  }
0x113: {  	v2 =	vmul.f32 $2.000000030e-01, v1  }
0x114: {  	vm2 =	vge.f32 v1, $0.0e+00  }
0x115: {  	v1 =	vsel vm2, v1, v2  }
0x116: {  	v1 =	vmul.f32 $1.442695020e+00, v1;
	_ =	sdelay $0x1  }
0x117: {  	(erf) = vpow2.f32 v1;
	_ =	sdelay $0x8  }
0x118: {  	v1 =	vpop (erf)  }
0x119: {  	v2 =	vld [tilespmem:$0x2931];
	(xrf2) =	vadd.scan.msk.f32 $0xffff, v1;
	_ =	sdelay $0x4  }
0x11a: {  	vm2 =	vne.s32 v0, v2  }
0x11b: {  	vm3 =	vmor vm2, vm0  }
0x11c: {  	vm2 =	vmand vm2, vm1;
	_ =	sdelay $0x2  }
0x11d: {  	v3, _, _ =	vpop (xrf2)  }
0x11e: {  	[tilespmem:$0x2830] =	vst v1;
	v1 =	vsub.f32 $0.0e+00, v3  }
0x11f: {  	[tilespmem:v0+s8+$0x0] =	vst.idx.add.f32.msk vm3, v3  }
0x120: {  	[tilespmem:v2+s8+$0x0] =	vst.idx.add.f32.msk vm2, v1  }
0x121: {  	v0 =	vld [tilespmem:$0x2940]  }
0x122: {  	v1 =	vld [tilespmem:$0x2A40];
	_ =	sdelay $0x5  }
0x123: {  	[tilespmem:$0x2B40] =	vst v0  }
0x124: {  	v2 =	vld.idx.msk [tilespmem:v0+s11+$0x0], $0xffff  }
0x125: {  	v1 =	vld.idx.msk [tilespmem:v1+s11+$0x0], $0xffff;
	_ =	sdelay $0x4  }
0x126: {  	v2 =	vand.u32 $0xFFFF0000, v2;
	v1 =	vshll.u32 v1, $0x10  }
0x127: {  	v1 =	vadd.f32 v1, v2;
	_ =	sdelay $0x1  }
0x128: {  	v2 =	vmul.f32 $2.000000030e-01, v1  }
0x129: {  	vm2 =	vge.f32 v1, $0.0e+00  }
0x12a: {  	v1 =	vsel vm2, v1, v2  }
0x12b: {  	v1 =	vmul.f32 $1.442695020e+00, v1;
	_ =	sdelay $0x1  }
0x12c: {  	(erf) = vpow2.f32 v1;
	_ =	sdelay $0x8  }
0x12d: {  	v1 =	vpop (erf)  }
0x12e: {  	v2 =	vld [tilespmem:$0x2941];
	(xrf2) =	vadd.scan.msk.f32 $0xffff, v1;
	_ =	sdelay $0x4  }
0x12f: {  	vm2 =	vne.s32 v0, v2  }
0x130: {  	vm3 =	vmor vm2, vm0  }
0x131: {  	vm2 =	vmand vm2, vm1;
	_ =	sdelay $0x2  }
0x132: {  	v3, _, _ =	vpop (xrf2)  }
0x133: {  	[tilespmem:$0x2840] =	vst v1;
	v1 =	vsub.f32 $0.0e+00, v3  }
0x134: {  	s0 =	sadd.s32 @!p1 s30, s18;
	[tilespmem:v0+s8+$0x0] =	vst.idx.add.f32.msk vm3, v3  }
0x135: {  	s0 =	sshrl.u32 @!p1 s0, $0x3;
	[tilespmem:v2+s8+$0x0] =	vst.idx.add.f32.msk vm2, v1  }
0x136: {  	[tilespmem:s22], [sflag:$0x4] =	stream.indirect.gather [hbm4b:s3+s19], $0x80, s13, s19, $0xb8;
	[tilespmem:$0x1E680] =	vst v63  }
0x137: {  	s30 =	simm.s32 @!p1 $0x2900;
	s1 =	sadd.s32 @!p1 s6, s0  }
0x138: {  	[tilespmem:s30], [sflag:$0x2] =	stream.linear.gather @!p1 [hbm4b:s1+s29], $0x60, $0x38;
	[tilespmem:$0x1E680] =	vst v63  }
0x139: {  	s0 =	sadd.s32 @!p1 s4, s0;
	s1 =	simm.s32 @!p1 $0x2A00  }
0x13a: {  	[tilespmem:s1], [sflag:$0x2] =	stream.linear.gather @!p1 [hbm4b:s0+s29], $0x50, $0x38;
	[tilespmem:$0x1E680] =	vst v63  }
0x13b: {  	_ =	swait.ge [sflag:s23], $0x2800  }
0x13c: {  	[sflag:s23] =	ssyncset.done $0x0  }
0x13d: {  	s29 =	simm.s32 $0x5440;
	[sflag:s23] =	ssyncadd.s32 $0xFFFFD800  }
0x13e: {  	v4 =	vld [tilespmem:s29+$0x30]  }
0x13f: {  	v7 =	vld [tilespmem:s29+$0x10]  }
0x140: {  	s1 =	simm.s32 $0x0;
	v5 =	vld [tilespmem:s29+$0xFFFFFFC0]  }
0x141: {  	v1 =	vld.msk [tilespmem:s1+$0x2780 ss:$0x0], $0xffff  }
0x142: {  	v9 =	vld [tilespmem:s29+$0xFFFFFFE0]  }
0x143: {  	v0 =	vld [tilespmem:s29+$0xFFFFFFF0]  }
0x144: {  	v2 =	vld [tilespmem:s29+$0x20]  }
0x145: {  	v3 =	vld [tilespmem:s29+$0xFFFFFFD0]  }
0x146: {  	v8 =	vmul.f32 v4, v1;
	v4 =	vld [tilespmem:s29+$0x0]  }
0x147: {  	v6 =	vmul.f32 v1, v5  }
0x148: {  	s31 =	simm.s32 $0x5440;
	s30 =	simm.s32 $0x4;
	v5 =	vmul.f32 v9, v1;
	v7 =	vmul.f32 v7, v1  }
.LBB2_4:
0x149: {  	p2 =	sne.s32 s30, $0x13C  }
0x14a: {  	v3 =	vmul.f32 v3, v1;
	v2 =	vmul.f32 v2, v1;
	[tilespmem:s29+$0x30] =	vst v8;
	s31 =	sadd.s32 $0x80, s31;
	s0 =	smov.u32 s30;
	s30 =	sadd.s32 $0x4, s30  }
0x14b: {  	[tilespmem:s29+$0xFFFFFFC0] =	vst v6;
	v6 =	vmul.f32 v0, v1;
	v1 =	vmul.f32 v4, v1  }
0x14c: {  	[tilespmem:s29+$0x10] =	vst v7  }
0x14d: {  	[tilespmem:s29+$0xFFFFFFE0] =	vst v5  }
0x14e: {  	v0 =	vld [tilespmem:s31+$0xFFFFFFF0];
	[tilespmem:s29+$0xFFFFFFF0] =	vst v6  }
0x14f: {  	v5 =	vld [tilespmem:s31+$0x30];
	[tilespmem:s29+$0x0] =	vst v1  }
0x150: {  	v7 =	vld [tilespmem:s31+$0x10];
	[tilespmem:s29+$0x20] =	vst v2  }
0x151: {  	s0 =	sshra.s32 s0, $0x2;
	v6 =	vld [tilespmem:s31+$0xFFFFFFC0];
	[tilespmem:s29+$0xFFFFFFD0] =	vst v3;
	s29 =	smov.u32 s31  }
0x152: {  	v1 =	vld.msk [tilespmem:s0+$0x2780 ss:$0x0], $0xffff  }
0x153: {  	v9 =	vld [tilespmem:s31+$0xFFFFFFE0]  }
0x154: {  	v2 =	vld [tilespmem:s31+$0x20]  }
.Ltmp1:
0x155: {  	v3 =	vld [tilespmem:s31+$0xFFFFFFD0];
	(pc) =	sbr.rel @p2 .LBB2_4-.Ltmp1, $3  }
0x156: {  	v4 =	vld [tilespmem:s31+$0x0];
	_ =	sdelay $0x1  }
0x157: {  	v6 =	vmul.f32 v1, v6;
	v8 =	vmul.f32 v5, v1  }
0x158: {  	v7 =	vmul.f32 v7, v1;
	v5 =	vmul.f32 v9, v1  }
0x159: {  	[tilespmem:s29+$0x30] =	vst v8  }
0x15a: {  	[tilespmem:s29+$0xFFFFFFC0] =	vst v6  }
0x15b: {  	v0 =	vmul.f32 v0, v1;
	[tilespmem:s29+$0x10] =	vst v7  }
0x15c: {  	v2 =	vmul.f32 v2, v1;
	[tilespmem:s29+$0xFFFFFFE0] =	vst v5  }
0x15d: {  	v63 =	vmul.f32 v3, v1;
	[tilespmem:s29+$0xFFFFFFF0] =	vst v0  }
0x15e: {  	v4 =	vmul.f32 v4, v1;
	[tilespmem:s29+$0x20] =	vst v2  }
0x15f: {  	[tilespmem:s29+$0xFFFFFFD0] =	vst v63  }
.Ltmp2:
0x160: {  	[tilespmem:s29+$0x0] =	vst v4;
	(pc) =	sbr.rel @p1 .LBB2_7-.Ltmp2, $4  }
0x161: {  	[spmem:s5] =	stream.indirect.scatter.add.f32 [tilespmem:s20], [sflag:$0x5], $0x80, s24, s19, $0xb8;
	[tilespmem:$0x1E680] =	vst v63  }
0x162: {  	_ =	swait.ge [sflag:s9], $0x2800  }
0x163: {  	[sflag:s9] =	ssyncset.done $0x0  }
0x164: {  	[sflag:s9] =	ssyncadd.s32 $0xFFFFD800  }
0x165: {  	_ =	swait.ge [sflag:s14], $0x60  }
0x166: {  	[sflag:s14] =	ssyncset.done $0x0  }
0x167: {  	[sflag:s14] =	ssyncadd.s32 $0xFFFFFFA0  }
0x168: {  	_ =	swait.ge [sflag:s14], $0x50  }
0x169: {  	[sflag:s14] =	ssyncset.done $0x0  }
0x16a: {  	[sflag:s14] =	ssyncadd.s32 $0xFFFFFFB0  }
0x16b: {  	v0 =	vld [tilespmem:$0x2880]  }
0x16c: {  	v1 =	vld [tilespmem:$0x2980];
	_ =	sdelay $0x5  }
0x16d: {  	[tilespmem:$0x2A80] =	vst v0  }
0x16e: {  	v2 =	vld.idx.msk [tilespmem:v0+s11+$0x0], $0xffff  }
0x16f: {  	v1 =	vld.idx.msk [tilespmem:v1+s11+$0x0], $0xffff;
	_ =	sdelay $0x4  }
0x170: {  	v2 =	vand.u32 $0xFFFF0000, v2;
	v1 =	vshll.u32 v1, $0x10  }
0x171: {  	v1 =	vadd.f32 v1, v2;
	_ =	sdelay $0x1  }
0x172: {  	v2 =	vmul.f32 $2.000000030e-01, v1  }
0x173: {  	vm2 =	vge.f32 v1, $0.0e+00  }
0x174: {  	v1 =	vsel vm2, v1, v2  }
0x175: {  	v1 =	vmul.f32 $1.442695020e+00, v1;
	_ =	sdelay $0x1  }
0x176: {  	(erf) = vpow2.f32 v1;
	_ =	sdelay $0x8  }
0x177: {  	v1 =	vpop (erf)  }
0x178: {  	v50 =	vld [tilespmem:$0x2881];
	(xrf2) =	vadd.scan.msk.f32 $0xffff, v1;
	_ =	sdelay $0x4  }
0x179: {  	vm2 =	vne.s32 v0, v50  }
0x17a: {  	vm3 =	vmor vm2, vm0  }
0x17b: {  	vm2 =	vmand vm2, vm1;
	_ =	sdelay $0x2  }
0x17c: {  	v3, _, _ =	vpop (xrf2)  }
0x17d: {  	[tilespmem:$0x2780] =	vst v1;
	v51 =	vsub.f32 $0.0e+00, v3  }
0x17e: {  	[tilespmem:v0+s8+$0x0] =	vst.idx.add.f32.msk vm3, v3  }
0x17f: {  	[tilespmem:v50+s8+$0x0] =	vst.idx.add.f32.msk vm2, v51  }
0x180: {  	v0 =	vld [tilespmem:$0x2890]  }
0x181: {  	v1 =	vld [tilespmem:$0x2990];
	_ =	sdelay $0x5  }
0x182: {  	[tilespmem:$0x2A90] =	vst v0  }
0x183: {  	v2 =	vld.idx.msk [tilespmem:v0+s11+$0x0], $0xffff  }
0x184: {  	v1 =	vld.idx.msk [tilespmem:v1+s11+$0x0], $0xffff;
	_ =	sdelay $0x4  }
0x185: {  	v2 =	vand.u32 $0xFFFF0000, v2;
	v1 =	vshll.u32 v1, $0x10  }
0x186: {  	v1 =	vadd.f32 v1, v2;
	_ =	sdelay $0x1  }
0x187: {  	v2 =	vmul.f32 $2.000000030e-01, v1  }
0x188: {  	vm2 =	vge.f32 v1, $0.0e+00  }
0x189: {  	v1 =	vsel vm2, v1, v2  }
0x18a: {  	v1 =	vmul.f32 $1.442695020e+00, v1;
	_ =	sdelay $0x1  }
0x18b: {  	(erf) = vpow2.f32 v1;
	_ =	sdelay $0x8  }
0x18c: {  	v1 =	vpop (erf)  }
0x18d: {  	v52 =	vld [tilespmem:$0x2891];
	(xrf2) =	vadd.scan.msk.f32 $0xffff, v1;
	_ =	sdelay $0x4  }
0x18e: {  	vm2 =	vne.s32 v0, v52  }
0x18f: {  	vm3 =	vmor vm2, vm0  }
0x190: {  	vm2 =	vmand vm2, vm1;
	_ =	sdelay $0x2  }
0x191: {  	v53, _, _ =	vpop (xrf2)  }
0x192: {  	[tilespmem:$0x2790] =	vst v1;
	v54 =	vsub.f32 $0.0e+00, v53  }
0x193: {  	[tilespmem:v0+s8+$0x0] =	vst.idx.add.f32.msk vm3, v53  }
0x194: {  	[tilespmem:v52+s8+$0x0] =	vst.idx.add.f32.msk vm2, v54  }
0x195: {  	v0 =	vld [tilespmem:$0x28A0]  }
0x196: {  	v1 =	vld [tilespmem:$0x29A0];
	_ =	sdelay $0x5  }
0x197: {  	[tilespmem:$0x2AA0] =	vst v0  }
0x198: {  	v2 =	vld.idx.msk [tilespmem:v0+s11+$0x0], $0xffff  }
0x199: {  	v1 =	vld.idx.msk [tilespmem:v1+s11+$0x0], $0xffff;
	_ =	sdelay $0x4  }
0x19a: {  	v2 =	vand.u32 $0xFFFF0000, v2;
	v1 =	vshll.u32 v1, $0x10  }
0x19b: {  	v1 =	vadd.f32 v1, v2;
	_ =	sdelay $0x1  }
0x19c: {  	v2 =	vmul.f32 $2.000000030e-01, v1  }
0x19d: {  	vm2 =	vge.f32 v1, $0.0e+00  }
0x19e: {  	v1 =	vsel vm2, v1, v2  }
0x19f: {  	v1 =	vmul.f32 $1.442695020e+00, v1;
	_ =	sdelay $0x1  }
0x1a0: {  	(erf) = vpow2.f32 v1;
	_ =	sdelay $0x8  }
0x1a1: {  	v1 =	vpop (erf)  }
0x1a2: {  	v55 =	vld [tilespmem:$0x28A1];
	(xrf2) =	vadd.scan.msk.f32 $0xffff, v1;
	_ =	sdelay $0x4  }
0x1a3: {  	vm2 =	vne.s32 v0, v55  }
0x1a4: {  	vm3 =	vmor vm2, vm0  }
0x1a5: {  	vm2 =	vmand vm2, vm1;
	_ =	sdelay $0x2  }
0x1a6: {  	v56, _, _ =	vpop (xrf2)  }
0x1a7: {  	[tilespmem:$0x27A0] =	vst v1;
	v57 =	vsub.f32 $0.0e+00, v56  }
0x1a8: {  	[tilespmem:v0+s8+$0x0] =	vst.idx.add.f32.msk vm3, v56  }
0x1a9: {  	[tilespmem:v55+s8+$0x0] =	vst.idx.add.f32.msk vm2, v57  }
0x1aa: {  	v0 =	vld [tilespmem:$0x28B0]  }
0x1ab: {  	v1 =	vld [tilespmem:$0x29B0];
	_ =	sdelay $0x5  }
0x1ac: {  	[tilespmem:$0x2AB0] =	vst v0  }
0x1ad: {  	v2 =	vld.idx.msk [tilespmem:v0+s11+$0x0], $0xffff  }
0x1ae: {  	v1 =	vld.idx.msk [tilespmem:v1+s11+$0x0], $0xffff;
	_ =	sdelay $0x4  }
0x1af: {  	v2 =	vand.u32 $0xFFFF0000, v2;
	v1 =	vshll.u32 v1, $0x10  }
0x1b0: {  	v1 =	vadd.f32 v1, v2;
	_ =	sdelay $0x1  }
0x1b1: {  	v2 =	vmul.f32 $2.000000030e-01, v1  }
0x1b2: {  	vm2 =	vge.f32 v1, $0.0e+00  }
0x1b3: {  	v1 =	vsel vm2, v1, v2  }
0x1b4: {  	v1 =	vmul.f32 $1.442695020e+00, v1;
	_ =	sdelay $0x1  }
0x1b5: {  	(erf) = vpow2.f32 v1;
	_ =	sdelay $0x8  }
0x1b6: {  	v1 =	vpop (erf)  }
0x1b7: {  	v58 =	vld [tilespmem:$0x28B1];
	(xrf2) =	vadd.scan.msk.f32 $0xffff, v1;
	_ =	sdelay $0x4  }
0x1b8: {  	vm2 =	vne.s32 v0, v58  }
0x1b9: {  	vm3 =	vmor vm2, vm0  }
0x1ba: {  	vm2 =	vmand vm2, vm1;
	_ =	sdelay $0x2  }
0x1bb: {  	v59, _, _ =	vpop (xrf2)  }
0x1bc: {  	[tilespmem:$0x27B0] =	vst v1;
	v60 =	vsub.f32 $0.0e+00, v59  }
0x1bd: {  	[tilespmem:v0+s8+$0x0] =	vst.idx.add.f32.msk vm3, v59  }
0x1be: {  	[tilespmem:v58+s8+$0x0] =	vst.idx.add.f32.msk vm2, v60  }
0x1bf: {  	v0 =	vld [tilespmem:$0x28C0]  }
0x1c0: {  	v1 =	vld [tilespmem:$0x29C0];
	_ =	sdelay $0x5  }
0x1c1: {  	[tilespmem:$0x2AC0] =	vst v0  }
0x1c2: {  	v2 =	vld.idx.msk [tilespmem:v0+s11+$0x0], $0xffff  }
0x1c3: {  	v1 =	vld.idx.msk [tilespmem:v1+s11+$0x0], $0xffff;
	_ =	sdelay $0x4  }
0x1c4: {  	v2 =	vand.u32 $0xFFFF0000, v2;
	v1 =	vshll.u32 v1, $0x10  }
0x1c5: {  	v1 =	vadd.f32 v1, v2;
	_ =	sdelay $0x1  }
0x1c6: {  	v2 =	vmul.f32 $2.000000030e-01, v1  }
0x1c7: {  	vm2 =	vge.f32 v1, $0.0e+00  }
0x1c8: {  	v1 =	vsel vm2, v1, v2  }
0x1c9: {  	v1 =	vmul.f32 $1.442695020e+00, v1;
	_ =	sdelay $0x1  }
0x1ca: {  	(erf) = vpow2.f32 v1;
	_ =	sdelay $0x8  }
0x1cb: {  	v1 =	vpop (erf)  }
0x1cc: {  	v61 =	vld [tilespmem:$0x28C1];
	(xrf2) =	vadd.scan.msk.f32 $0xffff, v1;
	_ =	sdelay $0x4  }
0x1cd: {  	vm2 =	vne.s32 v0, v61  }
0x1ce: {  	vm3 =	vmor vm2, vm0  }
0x1cf: {  	vm2 =	vmand vm2, vm1;
	_ =	sdelay $0x2  }
0x1d0: {  	v62, _, _ =	vpop (xrf2)  }
0x1d1: {  	[tilespmem:$0x27C0] =	vst v1;
	v63 =	vsub.f32 $0.0e+00, v62  }
0x1d2: {  	[tilespmem:v0+s8+$0x0] =	vst.idx.add.f32.msk vm3, v62  }
0x1d3: {  	[tilespmem:v61+s8+$0x0] =	vst.idx.add.f32.msk vm2, v63  }
0x1d4: {  	[tilespmem:s20], [sflag:$0x3] =	stream.indirect.gather [hbm4b:s3+s19], $0x80, s12, s19, $0xb8;
	[tilespmem:$0x1E680] =	vst v63  }
.LBB2_7:
0x1d5: {  	_ =	swait.ge [sflag:s25], $0x2800  }
0x1d6: {  	[sflag:s25] =	ssyncset.done $0x0  }
0x1d7: {  	s29 =	simm.s32 $0x7C40;
	[sflag:s25] =	ssyncadd.s32 $0xFFFFD800  }
0x1d8: {  	v4 =	vld [tilespmem:s29+$0x30]  }
0x1d9: {  	v7 =	vld [tilespmem:s29+$0x10]  }
0x1da: {  	s0 =	simm.s32 $0x0;
	v5 =	vld [tilespmem:s29+$0xFFFFFFC0]  }
0x1db: {  	v1 =	vld.msk [tilespmem:s0+$0x2800 ss:$0x0], $0xffff  }
0x1dc: {  	v9 =	vld [tilespmem:s29+$0xFFFFFFE0]  }
0x1dd: {  	v0 =	vld [tilespmem:s29+$0xFFFFFFF0]  }
0x1de: {  	v2 =	vld [tilespmem:s29+$0x20]  }
0x1df: {  	v3 =	vld [tilespmem:s29+$0xFFFFFFD0]  }
0x1e0: {  	v8 =	vmul.f32 v4, v1;
	v4 =	vld [tilespmem:s29+$0x0]  }
0x1e1: {  	v6 =	vmul.f32 v1, v5  }
0x1e2: {  	s30 =	simm.s32 $0x4;
	s31 =	simm.s32 $0x7C40;
	v5 =	vmul.f32 v9, v1;
	v7 =	vmul.f32 v7, v1  }
.LBB2_8:
0x1e3: {  	p1 =	sne.s32 s30, $0x13C  }
0x1e4: {  	v3 =	vmul.f32 v3, v1;
	v2 =	vmul.f32 v2, v1;
	[tilespmem:s29+$0x30] =	vst v8;
	s31 =	sadd.s32 $0x80, s31;
	s0 =	smov.u32 s30;
	s30 =	sadd.s32 $0x4, s30  }
0x1e5: {  	[tilespmem:s29+$0xFFFFFFC0] =	vst v6;
	v6 =	vmul.f32 v0, v1;
	v1 =	vmul.f32 v4, v1  }
0x1e6: {  	[tilespmem:s29+$0x10] =	vst v7  }
0x1e7: {  	[tilespmem:s29+$0xFFFFFFE0] =	vst v5  }
0x1e8: {  	v0 =	vld [tilespmem:s31+$0xFFFFFFF0];
	[tilespmem:s29+$0xFFFFFFF0] =	vst v6  }
0x1e9: {  	v5 =	vld [tilespmem:s31+$0x30];
	[tilespmem:s29+$0x0] =	vst v1  }
0x1ea: {  	v7 =	vld [tilespmem:s31+$0x10];
	[tilespmem:s29+$0x20] =	vst v2  }
0x1eb: {  	s0 =	sshra.s32 s0, $0x2;
	v6 =	vld [tilespmem:s31+$0xFFFFFFC0];
	[tilespmem:s29+$0xFFFFFFD0] =	vst v3;
	s29 =	smov.u32 s31  }
0x1ec: {  	v1 =	vld.msk [tilespmem:s0+$0x2800 ss:$0x0], $0xffff  }
0x1ed: {  	v9 =	vld [tilespmem:s31+$0xFFFFFFE0]  }
0x1ee: {  	v2 =	vld [tilespmem:s31+$0x20]  }
.Ltmp3:
0x1ef: {  	v3 =	vld [tilespmem:s31+$0xFFFFFFD0];
	(pc) =	sbr.rel @p1 .LBB2_8-.Ltmp3, $3  }
0x1f0: {  	v4 =	vld [tilespmem:s31+$0x0];
	_ =	sdelay $0x1  }
0x1f1: {  	v6 =	vmul.f32 v1, v6;
	v8 =	vmul.f32 v5, v1  }
0x1f2: {  	v7 =	vmul.f32 v7, v1;
	v5 =	vmul.f32 v9, v1  }
0x1f3: {  	[tilespmem:s29+$0x30] =	vst v8  }
0x1f4: {  	[tilespmem:s29+$0xFFFFFFC0] =	vst v6  }
0x1f5: {  	v0 =	vmul.f32 v0, v1;
	[tilespmem:s29+$0x10] =	vst v7  }
0x1f6: {  	v2 =	vmul.f32 v2, v1;
	[tilespmem:s29+$0xFFFFFFE0] =	vst v5  }
0x1f7: {  	v63 =	vmul.f32 v3, v1;
	[tilespmem:s29+$0xFFFFFFF0] =	vst v0  }
0x1f8: {  	s28 =	sadd.s32 $0x1, s28;
	v4 =	vmul.f32 v4, v1;
	[tilespmem:s29+$0x20] =	vst v2  }
0x1f9: {  	p1 =	sne.s32 s28, $0x7D;
	[tilespmem:s29+$0xFFFFFFD0] =	vst v63  }
.Ltmp4:
0x1fa: {  	[tilespmem:s29+$0x0] =	vst v4;
	(pc) =	sbr.rel @p1 .LBB2_3-.Ltmp4, $4  }
0x1fb: {  	[spmem:s5] =	stream.indirect.scatter.add.f32 [tilespmem:s22], [sflag:$0x5], $0x80, s26, s19, $0xb8;
	[tilespmem:$0x1E680] =	vst v63  }
0x1fc: {  	_ =	swait.ge [sflag:s9], $0x2800  }
0x1fd: {  	[sflag:s9] =	ssyncset.done $0x0  }
0x1fe: {  	[sflag:s9] =	ssyncadd.s32 $0xFFFFD800  }
0x1ff: {  	s0 =	simm.s32 $0x50;
	s1 =	simm.s32 $0x2B80  }
0x200: {  	s3 =	simm.s32 $0x2C00;
	s4 =	rddreg [dreg:$0x3];
	s29 =	simm.s32 $0x5  }
0x201: {  	[spmem:s4] =	stream.indirect.scatter.add.f32 [tilespmem:s3], [sflag:$0x5], $0x80, s1, s0, $0xb8;
	[tilespmem:$0x1E680] =	vst v63  }
0x202: {  	_ =	swait.ge [sflag:s29], $0x2800  }
0x203: {  	[sflag:s29] =	ssyncset.done $0x0  }
0x204: {  	s30 =	sshll.u32 s2, $0x6;
	[sflag:s29] =	ssyncadd.s32 $0xFFFFD800  }
0x205: {  	s31 =	sshrl.u32 s7, $0x3;
	s1 =	sor.u32 $0x1C05, s30;
	[bflag:$0x0] =	sbarrier.arrive $0xFFFF  }
0x206: {  	[hbm:s16], [sflag:s1] =	dma.local [spmem:s31], $0x2800  }
0x207: {  	_ =	swait.ge [sflag:s29], $0x2800  }
0x208: {  	[sflag:s29] =	ssyncset.done $0x0  }
0x209: {  	s0 =	sshrl.u32 @!p0 s10, $0x3;
	[sflag:s29] =	ssyncadd.s32 $0xFFFFD800  }
0x20a: {  	[hbm:s15], [sflag:s1] =	dma.local @!p0 [spmem:s0], $0x80  }
0x20b: {  	s0 =	simm.s32 @!p0 $0x5  }
0x20c: {  	_ =	swait.ge @!p0 [sflag:s0], $0x80  }
0x20d: {  	[sflag:s0] =	ssyncset.done @!p0 $0x0  }
0x20e: {  	[sflag:s0] =	ssyncadd.s32 @!p0 $0xFFFFFF80  }
0x20f: {  	_ =	sfence.sel $0x180000  }
0x210: {  	[bflag:$0x0] =	sbarrier.arrive $0xFFFF  }
0x211: {  	_ =	strace $0x90000047  }
0x212: {  	[bflag:$0x2] =	sbarrier.arrive $0xFFFF  }
0x213: {  	p0 =	sne.s32 s2, $0x0;
	s0 =	rddreg [dreg:$0x4]  }
0x214: {  	s0 =	sadd.s32 @!p0 $0x100000, s0  }
0x215: {  	[sflag:s0] =	ssyncadd.tile.s32 @!p0 $0x1;
	_ =	shalt  }
.Lfunc_end2:
_tile_overlayer_lowered:
.L_overlay_start_2:
0x216: {  	(tag) =	ssettag $0x2  }
0x217: {  	s0 =	rddreg [dreg:$0x0];
	s2 =	stileid.u32  }
0x218: {  	s1 =	rddreg [dreg:$0x1];
	p0 =	sne.s32 s2, $0x0  }
0x219: {  	s3 =	rddreg [dreg:$0x2];
	[bflag:$0x3] =	sbarrier.arrive $0xFFFF;
	s2 =	simm.s32 @!p0 $0x1C05  }
0x21a: {  	[timem:s3], [sflag:s2] =	dma.local @!p0 [hbm:s0], s1  }
0x21b: {  	s0 =	simm.s32 @!p0 $0x5  }
0x21c: {  	_ =	swait.ge @!p0 [sflag:s0], s1  }
0x21d: {  	s1 =	ssub.s32 @!p0 $0x0, s1;
	[sflag:s0] =	ssyncset.done @!p0 $0x0  }
0x21e: {  	[sflag:s0] =	ssyncadd.s32 @!p0 s1  }
0x21f: {  	[bflag:$0x3] =	sbarrier.arrive $0xFFFF  }
0x220: {  	_ =	shalt  }

</sc_bundles>
